<compile_context>
chip_gen: v7x
topology: tpu7x:2x2x1
jax: 0.10.2.dev20260603
libtpu: 0.0.44.dev20260713+nightly
codegen_flags: <defaults>
</compile_context>

<pallas_src>
import jax
import jax.numpy as jnp
from jax import lax
from jax.experimental import pallas as pl
from jax.experimental.pallas import tpu as pltpu
from jax.experimental.pallas import tpu_sc as plsc
import functools

_B, _L, _D = 4096, 200, 64
_BL = _B * _L
_NW = 32
_TOK_PER_W = _BL // _NW
_N_TILE = 512
_TILES = _TOK_PER_W // _N_TILE
_GROUPS = _N_TILE // 16


def _make_sc_kernel():
    mesh = plsc.VectorSubcoreMesh(core_axis_name="c", subcore_axis_name="s")

    @functools.partial(
        pl.kernel,
        mesh=mesh,
        out_type=jax.ShapeDtypeStruct((_BL, 128), jnp.float32),
        scratch_types=[
            pltpu.VMEM((_N_TILE,), jnp.int32),
            pltpu.VMEM((_N_TILE,), jnp.int32),
            pltpu.VMEM((_N_TILE, 128), jnp.float32),
            pltpu.VMEM((7, 32), jnp.float32),
            pltpu.VMEM((288, 32), jnp.float32),
        ],
        compiler_params=pltpu.CompilerParams(use_tc_tiling_on_sc=False,
                                             needs_layout_passes=False),
    )
    def k(inp_hbm, didx_hbm, tidx_hbm, eday_hbm, etime_hbm, out_hbm,
          didx_v, tidx_v, out_v, eday_v, etime_v):
        wid = lax.axis_index("s") * 2 + lax.axis_index("c")
        pltpu.sync_copy(eday_hbm, eday_v)
        pltpu.sync_copy(etime_hbm, etime_v)

        def tile_body(t, carry):
            base = wid * _TOK_PER_W + t * _N_TILE
            pltpu.sync_copy(didx_hbm.at[pl.ds(base, _N_TILE)], didx_v)
            pltpu.sync_copy(tidx_hbm.at[pl.ds(base, _N_TILE)], tidx_v)
            pltpu.sync_copy(inp_hbm.at[pl.ds(base, _N_TILE), :],
                            out_v.at[:, 0:64])

            def group_body(g, carry2):
                tok = jnp.int32(16) * g + lax.iota(jnp.int32, 16)
                didx = didx_v[pl.ds(g * 16, 16)]
                tidx = tidx_v[pl.ds(g * 16, 16)]
                for j in range(32):
                    cj = jnp.full((16,), j, jnp.int32)
                    dval = plsc.load_gather(eday_v, [didx, cj])
                    plsc.store_scatter(out_v, [tok, cj + 64], dval)
                    tval = plsc.load_gather(etime_v, [tidx, cj])
                    plsc.store_scatter(out_v, [tok, cj + 96], tval)
                return carry2

            lax.fori_loop(0, _GROUPS, group_body, 0)
            pltpu.sync_copy(out_v, out_hbm.at[pl.ds(base, _N_TILE), :])
            return carry

        lax.fori_loop(0, _TILES, tile_body, 0)

    return k


_sc_kernel = _make_sc_kernel()


def kernel(inp, daytime, emb_day, emb_time):
    inp2 = inp.reshape(_BL, _D)
    didx = daytime[:, :, 0].reshape(_BL).astype(jnp.int32)
    tidx = daytime[:, :, 1].reshape(_BL).astype(jnp.int32)
    out2 = _sc_kernel(inp2, didx, tidx, emb_day, emb_time)
    return out2.reshape(_B, _L, 128)

# --- scband reference (transcript-rebuilt; emitter-appended) ---
"""Pipeline reference for scband-model-base-16037407883730 (READ-ONLY COPY).

The authoritative reference and input builder live on the scoring server;
editing this copy changes nothing except your own understanding.
"""

import jax, jax.numpy as jnp
import numpy as np

DAY_VOCAB = 7
TIME_VOCAB = 288
DAY_SIZE = 32
TIME_SIZE = 32
B, L, D = 4096, 200, 64

def setup_inputs(seed: int = 0) -> dict:
    key = jax.random.key(seed)
    k1, k2, k3, k4 = jax.random.split(key, 4)
    inp = jax.random.normal(k1, (B, L, D), dtype=jnp.float32)
    daytime = jax.random.randint(k2, (B, L, 2), 0, 7, dtype=jnp.int64)
    emb_day = jax.random.normal(k3, (DAY_VOCAB, DAY_SIZE), dtype=jnp.float32) * 0.02
    emb_time = jax.random.normal(k4, (TIME_VOCAB, TIME_SIZE), dtype=jnp.float32) * 0.02
    return {"inp": inp, "daytime": daytime, "emb_day": emb_day, "emb_time": emb_time}

def reference(inp, daytime, emb_day, emb_time):
    # eval-mode: dropout is identity
    day = jnp.take(emb_day, daytime[:, :, 0], axis=0)
    time = jnp.take(emb_time, daytime[:, :, 1], axis=0)
    out = jnp.concatenate((inp, day, time), axis=-1)
    return out

if __name__ == "__main__":
    import jax
    _d = setup_inputs()
    print(jax.jit(kernel)(*tuple(_d.values())))

</pallas_src>

<mosaic_0001>
#map = affine_map<(d0, d1) -> (0, 0)>
#map1 = affine_map<(d0, d1) -> (0)>
module attributes {stable_mosaic.version = 14 : i64} {
  func.func @k(%arg0: i32, %arg1: i32, %arg2: memref<819200x64xf32, #tpu.memory_space<hbm>>, %arg3: memref<819200xi32, #tpu.memory_space<hbm>>, %arg4: memref<819200xi32, #tpu.memory_space<hbm>>, %arg5: memref<7x32xf32, #tpu.memory_space<hbm>>, %arg6: memref<288x32xf32, #tpu.memory_space<hbm>>, %arg7: memref<819200x128xf32, #tpu.memory_space<hbm>>, %arg8: memref<512xi32, #tpu.memory_space<vmem>>, %arg9: memref<512xi32, #tpu.memory_space<vmem>>, %arg10: memref<512x128xf32, #tpu.memory_space<vmem>>, %arg11: memref<7x32xf32, #tpu.memory_space<vmem>>, %arg12: memref<288x32xf32, #tpu.memory_space<vmem>>) attributes {dimension_semantics = [#tpu.dimension_semantics<core_parallel>, #tpu.dimension_semantics<subcore_parallel>], iteration_bounds = array<i64: 2, 16>, scalar_prefetch = 0 : i64, scratch_operands = 5 : i64, tpu.core_type = #tpu.core_type<sc_vector_subcore>, window_params = [{transform_indices = #map}, {transform_indices = #map1}, {transform_indices = #map1}, {transform_indices = #map}, {transform_indices = #map}, {transform_indices = #map}]} {
    %mul3A = arith.constant 2 : i32
    %mul3A_0 = arith.muli %arg1, %mul3A : i32
    %add3A = arith.addi %mul3A_0, %arg0 : i32
    "tpu.region"() ({
      %run_scoped3A = tpu.sem_alloc : memref<!tpu.dma_semaphore, #tpu.memory_space<semaphore_mem>>
      tpu.enqueue_dma source(%arg5 : memref<7x32xf32, #tpu.memory_space<hbm>>) target(%arg11 : memref<7x32xf32, #tpu.memory_space<vmem>>) target_semaphore(%run_scoped3A : memref<!tpu.dma_semaphore, #tpu.memory_space<semaphore_mem>>)
      tpu.wait_dma2 semaphore(%run_scoped3A : memref<!tpu.dma_semaphore, #tpu.memory_space<semaphore_mem>>) src(%arg5 : memref<7x32xf32, #tpu.memory_space<hbm>>) dst(%arg11 : memref<7x32xf32, #tpu.memory_space<vmem>>)
      tpu.yield
    }) : () -> ()
    "tpu.region"() ({
      %run_scoped3A = tpu.sem_alloc : memref<!tpu.dma_semaphore, #tpu.memory_space<semaphore_mem>>
      tpu.enqueue_dma source(%arg6 : memref<288x32xf32, #tpu.memory_space<hbm>>) target(%arg12 : memref<288x32xf32, #tpu.memory_space<vmem>>) target_semaphore(%run_scoped3A : memref<!tpu.dma_semaphore, #tpu.memory_space<semaphore_mem>>)
      tpu.wait_dma2 semaphore(%run_scoped3A : memref<!tpu.dma_semaphore, #tpu.memory_space<semaphore_mem>>) src(%arg6 : memref<288x32xf32, #tpu.memory_space<hbm>>) dst(%arg12 : memref<288x32xf32, #tpu.memory_space<vmem>>)
      tpu.yield
    }) : () -> ()
    %scan3A = arith.constant 0 : i32
    %scan3A_1 = arith.constant 0 : i32
    %scan3A_2 = arith.constant 50 : i32
    %scan3A_3 = arith.addi %scan3A_1, %scan3A_2 : i32
    %scan3A_4 = arith.constant 1 : i32
    scf.for %scan3A_6 = %scan3A_1 to %scan3A_3 step %scan3A_4  : i32 {
      %mul3A_7 = arith.constant 25600 : i32
      %mul3A_8 = arith.muli %add3A, %mul3A_7 : i32
      %mul3A_9 = arith.constant 512 : i32
      %mul3A_10 = arith.muli %scan3A_6, %mul3A_9 : i32
      %add3A_11 = arith.addi %mul3A_8, %mul3A_10 : i32
      "tpu.region"() ({
        %run_scoped3A = tpu.sem_alloc : memref<!tpu.dma_semaphore, #tpu.memory_space<semaphore_mem>>
        %dma_start3A = tpu.memref_slice %arg3[%add3A_11] : memref<819200xi32, #tpu.memory_space<hbm>> -> memref<512xi32, #tpu.memory_space<hbm>>
        %dma_start3A_18 = tpu.memref_slice %arg3[%add3A_11] : memref<819200xi32, #tpu.memory_space<hbm>> -> memref<512xi32, #tpu.memory_space<hbm>>
        tpu.enqueue_dma source(%dma_start3A_18 : memref<512xi32, #tpu.memory_space<hbm>>) target(%arg8 : memref<512xi32, #tpu.memory_space<vmem>>) target_semaphore(%run_scoped3A : memref<!tpu.dma_semaphore, #tpu.memory_space<semaphore_mem>>)
        %dma_wait3A = tpu.memref_slice %arg3[%add3A_11] : memref<819200xi32, #tpu.memory_space<hbm>> -> memref<512xi32, #tpu.memory_space<hbm>>
        %dma_wait3A_19 = tpu.memref_slice %arg3[%add3A_11] : memref<819200xi32, #tpu.memory_space<hbm>> -> memref<512xi32, #tpu.memory_space<hbm>>
        tpu.wait_dma2 semaphore(%run_scoped3A : memref<!tpu.dma_semaphore, #tpu.memory_space<semaphore_mem>>) src(%dma_wait3A_19 : memref<512xi32, #tpu.memory_space<hbm>>) dst(%arg8 : memref<512xi32, #tpu.memory_space<vmem>>)
        tpu.yield
      }) : () -> ()
      "tpu.region"() ({
        %run_scoped3A = tpu.sem_alloc : memref<!tpu.dma_semaphore, #tpu.memory_space<semaphore_mem>>
        %dma_start3A = tpu.memref_slice %arg4[%add3A_11] : memref<819200xi32, #tpu.memory_space<hbm>> -> memref<512xi32, #tpu.memory_space<hbm>>
        %dma_start3A_18 = tpu.memref_slice %arg4[%add3A_11] : memref<819200xi32, #tpu.memory_space<hbm>> -> memref<512xi32, #tpu.memory_space<hbm>>
        tpu.enqueue_dma source(%dma_start3A_18 : memref<512xi32, #tpu.memory_space<hbm>>) target(%arg9 : memref<512xi32, #tpu.memory_space<vmem>>) target_semaphore(%run_scoped3A : memref<!tpu.dma_semaphore, #tpu.memory_space<semaphore_mem>>)
        %dma_wait3A = tpu.memref_slice %arg4[%add3A_11] : memref<819200xi32, #tpu.memory_space<hbm>> -> memref<512xi32, #tpu.memory_space<hbm>>
        %dma_wait3A_19 = tpu.memref_slice %arg4[%add3A_11] : memref<819200xi32, #tpu.memory_space<hbm>> -> memref<512xi32, #tpu.memory_space<hbm>>
        tpu.wait_dma2 semaphore(%run_scoped3A : memref<!tpu.dma_semaphore, #tpu.memory_space<semaphore_mem>>) src(%dma_wait3A_19 : memref<512xi32, #tpu.memory_space<hbm>>) dst(%arg9 : memref<512xi32, #tpu.memory_space<vmem>>)
        tpu.yield
      }) : () -> ()
      "tpu.region"() ({
        %run_scoped3A = tpu.sem_alloc : memref<!tpu.dma_semaphore, #tpu.memory_space<semaphore_mem>>
        %dma_start3A = arith.constant 0 : i32
        %dma_start3A_18 = arith.constant 0 : i32
        %dma_start3A_19 = tpu.memref_slice %arg10[%dma_start3A, %dma_start3A_18] : memref<512x128xf32, #tpu.memory_space<vmem>> -> memref<512x64xf32, #tpu.memory_space<vmem>>
        %dma_start3A_20 = arith.constant 0 : i32
        %dma_start3A_21 = tpu.memref_slice %arg2[%add3A_11, %dma_start3A_20] : memref<819200x64xf32, #tpu.memory_space<hbm>> -> memref<512x64xf32, #tpu.memory_space<hbm>>
        %dma_start3A_22 = arith.constant 0 : i32
        %dma_start3A_23 = arith.constant 0 : i32
        %dma_start3A_24 = tpu.memref_slice %arg10[%dma_start3A_22, %dma_start3A_23] : memref<512x128xf32, #tpu.memory_space<vmem>> -> memref<512x64xf32, #tpu.memory_space<vmem>>
        %dma_start3A_25 = arith.constant 0 : i32
        %dma_start3A_26 = tpu.memref_slice %arg2[%add3A_11, %dma_start3A_25] : memref<819200x64xf32, #tpu.memory_space<hbm>> -> memref<512x64xf32, #tpu.memory_space<hbm>>
        tpu.enqueue_dma source(%dma_start3A_26 : memref<512x64xf32, #tpu.memory_space<hbm>>) target(%dma_start3A_24 : memref<512x64xf32, #tpu.memory_space<vmem>>) target_semaphore(%run_scoped3A : memref<!tpu.dma_semaphore, #tpu.memory_space<semaphore_mem>>)
        %dma_wait3A = arith.constant 0 : i32
        %dma_wait3A_27 = arith.constant 0 : i32
        %dma_wait3A_28 = tpu.memref_slice %arg10[%dma_wait3A, %dma_wait3A_27] : memref<512x128xf32, #tpu.memory_space<vmem>> -> memref<512x64xf32, #tpu.memory_space<vmem>>
        %dma_wait3A_29 = arith.constant 0 : i32
        %dma_wait3A_30 = tpu.memref_slice %arg2[%add3A_11, %dma_wait3A_29] : memref<819200x64xf32, #tpu.memory_space<hbm>> -> memref<512x64xf32, #tpu.memory_space<hbm>>
        %dma_wait3A_31 = arith.constant 0 : i32
        %dma_wait3A_32 = arith.constant 0 : i32
        %dma_wait3A_33 = tpu.memref_slice %arg10[%dma_wait3A_31, %dma_wait3A_32] : memref<512x128xf32, #tpu.memory_space<vmem>> -> memref<512x64xf32, #tpu.memory_space<vmem>>
        %dma_wait3A_34 = arith.constant 0 : i32
        %dma_wait3A_35 = tpu.memref_slice %arg2[%add3A_11, %dma_wait3A_34] : memref<819200x64xf32, #tpu.memory_space<hbm>> -> memref<512x64xf32, #tpu.memory_space<hbm>>
        tpu.wait_dma2 semaphore(%run_scoped3A : memref<!tpu.dma_semaphore, #tpu.memory_space<semaphore_mem>>) src(%dma_wait3A_35 : memref<512x64xf32, #tpu.memory_space<hbm>>) dst(%dma_wait3A_33 : memref<512x64xf32, #tpu.memory_space<vmem>>)
        tpu.yield
      }) : () -> ()
      %scan3A_12 = arith.constant 0 : i32
      %scan3A_13 = arith.constant 0 : i32
      %scan3A_14 = arith.constant 32 : i32
      %scan3A_15 = arith.addi %scan3A_13, %scan3A_14 : i32
      %scan3A_16 = arith.constant 1 : i32
      scf.for %scan3A_18 = %scan3A_13 to %scan3A_15 step %scan3A_16  : i32 {
        %mul3A_19 = arith.constant 16 : i32
        %mul3A_20 = arith.muli %mul3A_19, %scan3A_18 : i32
        %iota3A = tpu.iota {dimensions = array<i32: 0>} : vector<16xi32>
        %add3A_21 = vector.broadcast %mul3A_20 : i32 to vector<16xi32>
        %add3A_22 = arith.addi %add3A_21, %iota3A : vector<16xi32>
        %mul3A_23 = arith.constant 16 : i32
        %mul3A_24 = arith.muli %scan3A_18, %mul3A_23 : i32
        %get3A = arith.index_cast %mul3A_24 : i32 to index
        %get3A_25 = tpu.vector_load %arg8[%get3A] {strides = array<i32>} : memref<512xi32, #tpu.memory_space<vmem>>, vector<16xi32>,
        %mul3A_26 = arith.constant 16 : i32
        %mul3A_27 = arith.muli %scan3A_18, %mul3A_26 : i32
        %get3A_28 = arith.index_cast %mul3A_27 : i32 to index
        %get3A_29 = tpu.vector_load %arg9[%get3A_28] {strides = array<i32>} : memref<512xi32, #tpu.memory_space<vmem>>, vector<16xi32>,
        %broadcast_in_dim3A = arith.constant 0 : i32
        %broadcast_in_dim3A_30 = vector.broadcast %broadcast_in_dim3A : i32 to vector<16xi32>
        %gather3A = tpu.vector_load_idx %arg11[%get3A_25, %broadcast_in_dim3A_30] : memref<7x32xf32, #tpu.memory_space<vmem>>[vector<16xi32>, vector<16xi32>], vector<16xf32>,
        %add3A_31 = arith.constant 64 : i32
        %add3A_32 = vector.broadcast %add3A_31 : i32 to vector<16xi32>
        %add3A_33 = arith.addi %broadcast_in_dim3A_30, %add3A_32 : vector<16xi32>
        tpu.vector_store_idx %arg10[%add3A_22, %add3A_33], %gather3A : memref<512x128xf32, #tpu.memory_space<vmem>>[vector<16xi32>, vector<16xi32>], vector<16xf32>,
        %gather3A_34 = tpu.vector_load_idx %arg12[%get3A_29, %broadcast_in_dim3A_30] : memref<288x32xf32, #tpu.memory_space<vmem>>[vector<16xi32>, vector<16xi32>], vector<16xf32>,
        %add3A_35 = arith.constant 96 : i32
        %add3A_36 = vector.broadcast %add3A_35 : i32 to vector<16xi32>
        %add3A_37 = arith.addi %broadcast_in_dim3A_30, %add3A_36 : vector<16xi32>
        tpu.vector_store_idx %arg10[%add3A_22, %add3A_37], %gather3A_34 : memref<512x128xf32, #tpu.memory_space<vmem>>[vector<16xi32>, vector<16xi32>], vector<16xf32>,
        %broadcast_in_dim3A_38 = arith.constant 1 : i32
        %broadcast_in_dim3A_39 = vector.broadcast %broadcast_in_dim3A_38 : i32 to vector<16xi32>
        %gather3A_40 = tpu.vector_load_idx %arg11[%get3A_25, %broadcast_in_dim3A_39] : memref<7x32xf32, #tpu.memory_space<vmem>>[vector<16xi32>, vector<16xi32>], vector<16xf32>,
        %add3A_41 = arith.constant 64 : i32
        %add3A_42 = vector.broadcast %add3A_41 : i32 to vector<16xi32>
        %add3A_43 = arith.addi %broadcast_in_dim3A_39, %add3A_42 : vector<16xi32>
        tpu.vector_store_idx %arg10[%add3A_22, %add3A_43], %gather3A_40 : memref<512x128xf32, #tpu.memory_space<vmem>>[vector<16xi32>, vector<16xi32>], vector<16xf32>,
        %gather3A_44 = tpu.vector_load_idx %arg12[%get3A_29, %broadcast_in_dim3A_39] : memref<288x32xf32, #tpu.memory_space<vmem>>[vector<16xi32>, vector<16xi32>], vector<16xf32>,
        %add3A_45 = arith.constant 96 : i32
        %add3A_46 = vector.broadcast %add3A_45 : i32 to vector<16xi32>
        %add3A_47 = arith.addi %broadcast_in_dim3A_39, %add3A_46 : vector<16xi32>
        tpu.vector_store_idx %arg10[%add3A_22, %add3A_47], %gather3A_44 : memref<512x128xf32, #tpu.memory_space<vmem>>[vector<16xi32>, vector<16xi32>], vector<16xf32>,
        %broadcast_in_dim3A_48 = arith.constant 2 : i32
        %broadcast_in_dim3A_49 = vector.broadcast %broadcast_in_dim3A_48 : i32 to vector<16xi32>
        %gather3A_50 = tpu.vector_load_idx %arg11[%get3A_25, %broadcast_in_dim3A_49] : memref<7x32xf32, #tpu.memory_space<vmem>>[vector<16xi32>, vector<16xi32>], vector<16xf32>,
        %add3A_51 = arith.constant 64 : i32
        %add3A_52 = vector.broadcast %add3A_51 : i32 to vector<16xi32>
        %add3A_53 = arith.addi %broadcast_in_dim3A_49, %add3A_52 : vector<16xi32>
        tpu.vector_store_idx %arg10[%add3A_22, %add3A_53], %gather3A_50 : memref<512x128xf32, #tpu.memory_space<vmem>>[vector<16xi32>, vector<16xi32>], vector<16xf32>,
        %gather3A_54 = tpu.vector_load_idx %arg12[%get3A_29, %broadcast_in_dim3A_49] : memref<288x32xf32, #tpu.memory_space<vmem>>[vector<16xi32>, vector<16xi32>], vector<16xf32>,
        %add3A_55 = arith.constant 96 : i32
        %add3A_56 = vector.broadcast %add3A_55 : i32 to vector<16xi32>
        %add3A_57 = arith.addi %broadcast_in_dim3A_49, %add3A_56 : vector<16xi32>
        tpu.vector_store_idx %arg10[%add3A_22, %add3A_57], %gather3A_54 : memref<512x128xf32, #tpu.memory_space<vmem>>[vector<16xi32>, vector<16xi32>], vector<16xf32>,
        %broadcast_in_dim3A_58 = arith.constant 3 : i32
        %broadcast_in_dim3A_59 = vector.broadcast %broadcast_in_dim3A_58 : i32 to vector<16xi32>
        %gather3A_60 = tpu.vector_load_idx %arg11[%get3A_25, %broadcast_in_dim3A_59] : memref<7x32xf32, #tpu.memory_space<vmem>>[vector<16xi32>, vector<16xi32>], vector<16xf32>,
        %add3A_61 = arith.constant 64 : i32
        %add3A_62 = vector.broadcast %add3A_61 : i32 to vector<16xi32>
        %add3A_63 = arith.addi %broadcast_in_dim3A_59, %add3A_62 : vector<16xi32>
        tpu.vector_store_idx %arg10[%add3A_22, %add3A_63], %gather3A_60 : memref<512x128xf32, #tpu.memory_space<vmem>>[vector<16xi32>, vector<16xi32>], vector<16xf32>,
        %gather3A_64 = tpu.vector_load_idx %arg12[%get3A_29, %broadcast_in_dim3A_59] : memref<288x32xf32, #tpu.memory_space<vmem>>[vector<16xi32>, vector<16xi32>], vector<16xf32>,
        %add3A_65 = arith.constant 96 : i32
        %add3A_66 = vector.broadcast %add3A_65 : i32 to vector<16xi32>
        %add3A_67 = arith.addi %broadcast_in_dim3A_59, %add3A_66 : vector<16xi32>
        tpu.vector_store_idx %arg10[%add3A_22, %add3A_67], %gather3A_64 : memref<512x128xf32, #tpu.memory_space<vmem>>[vector<16xi32>, vector<16xi32>], vector<16xf32>,
        %broadcast_in_dim3A_68 = arith.constant 4 : i32
        %broadcast_in_dim3A_69 = vector.broadcast %broadcast_in_dim3A_68 : i32 to vector<16xi32>
        %gather3A_70 = tpu.vector_load_idx %arg11[%get3A_25, %broadcast_in_dim3A_69] : memref<7x32xf32, #tpu.memory_space<vmem>>[vector<16xi32>, vector<16xi32>], vector<16xf32>,
        %add3A_71 = arith.constant 64 : i32
        %add3A_72 = vector.broadcast %add3A_71 : i32 to vector<16xi32>
        %add3A_73 = arith.addi %broadcast_in_dim3A_69, %add3A_72 : vector<16xi32>
        tpu.vector_store_idx %arg10[%add3A_22, %add3A_73], %gather3A_70 : memref<512x128xf32, #tpu.memory_space<vmem>>[vector<16xi32>, vector<16xi32>], vector<16xf32>,
        %gather3A_74 = tpu.vector_load_idx %arg12[%get3A_29, %broadcast_in_dim3A_69] : memref<288x32xf32, #tpu.memory_space<vmem>>[vector<16xi32>, vector<16xi32>], vector<16xf32>,
        %add3A_75 = arith.constant 96 : i32
        %add3A_76 = vector.broadcast %add3A_75 : i32 to vector<16xi32>
        %add3A_77 = arith.addi %broadcast_in_dim3A_69, %add3A_76 : vector<16xi32>
        tpu.vector_store_idx %arg10[%add3A_22, %add3A_77], %gather3A_74 : memref<512x128xf32, #tpu.memory_space<vmem>>[vector<16xi32>, vector<16xi32>], vector<16xf32>,
        %broadcast_in_dim3A_78 = arith.constant 5 : i32
        %broadcast_in_dim3A_79 = vector.broadcast %broadcast_in_dim3A_78 : i32 to vector<16xi32>
        %gather3A_80 = tpu.vector_load_idx %arg11[%get3A_25, %broadcast_in_dim3A_79] : memref<7x32xf32, #tpu.memory_space<vmem>>[vector<16xi32>, vector<16xi32>], vector<16xf32>,
        %add3A_81 = arith.constant 64 : i32
        %add3A_82 = vector.broadcast %add3A_81 : i32 to vector<16xi32>
        %add3A_83 = arith.addi %broadcast_in_dim3A_79, %add3A_82 : vector<16xi32>
        tpu.vector_store_idx %arg10[%add3A_22, %add3A_83], %gather3A_80 : memref<512x128xf32, #tpu.memory_space<vmem>>[vector<16xi32>, vector<16xi32>], vector<16xf32>,
        %gather3A_84 = tpu.vector_load_idx %arg12[%get3A_29, %broadcast_in_dim3A_79] : memref<288x32xf32, #tpu.memory_space<vmem>>[vector<16xi32>, vector<16xi32>], vector<16xf32>,
        %add3A_85 = arith.constant 96 : i32
        %add3A_86 = vector.broadcast %add3A_85 : i32 to vector<16xi32>
        %add3A_87 = arith.addi %broadcast_in_dim3A_79, %add3A_86 : vector<16xi32>
        tpu.vector_store_idx %arg10[%add3A_22, %add3A_87], %gather3A_84 : memref<512x128xf32, #tpu.memory_space<vmem>>[vector<16xi32>, vector<16xi32>], vector<16xf32>,
        %broadcast_in_dim3A_88 = arith.constant 6 : i32
        %broadcast_in_dim3A_89 = vector.broadcast %broadcast_in_dim3A_88 : i32 to vector<16xi32>
        %gather3A_90 = tpu.vector_load_idx %arg11[%get3A_25, %broadcast_in_dim3A_89] : memref<7x32xf32, #tpu.memory_space<vmem>>[vector<16xi32>, vector<16xi32>], vector<16xf32>,
        %add3A_91 = arith.constant 64 : i32
        %add3A_92 = vector.broadcast %add3A_91 : i32 to vector<16xi32>
        %add3A_93 = arith.addi %broadcast_in_dim3A_89, %add3A_92 : vector<16xi32>
        tpu.vector_store_idx %arg10[%add3A_22, %add3A_93], %gather3A_90 : memref<512x128xf32, #tpu.memory_space<vmem>>[vector<16xi32>, vector<16xi32>], vector<16xf32>,
        %gather3A_94 = tpu.vector_load_idx %arg12[%get3A_29, %broadcast_in_dim3A_89] : memref<288x32xf32, #tpu.memory_space<vmem>>[vector<16xi32>, vector<16xi32>], vector<16xf32>,
        %add3A_95 = arith.constant 96 : i32
        %add3A_96 = vector.broadcast %add3A_95 : i32 to vector<16xi32>
        %add3A_97 = arith.addi %broadcast_in_dim3A_89, %add3A_96 : vector<16xi32>
        tpu.vector_store_idx %arg10[%add3A_22, %add3A_97], %gather3A_94 : memref<512x128xf32, #tpu.memory_space<vmem>>[vector<16xi32>, vector<16xi32>], vector<16xf32>,
        %broadcast_in_dim3A_98 = arith.constant 7 : i32
        %broadcast_in_dim3A_99 = vector.broadcast %broadcast_in_dim3A_98 : i32 to vector<16xi32>
        %gather3A_100 = tpu.vector_load_idx %arg11[%get3A_25, %broadcast_in_dim3A_99] : memref<7x32xf32, #tpu.memory_space<vmem>>[vector<16xi32>, vector<16xi32>], vector<16xf32>,
        %add3A_101 = arith.constant 64 : i32
        %add3A_102 = vector.broadcast %add3A_101 : i32 to vector<16xi32>
        %add3A_103 = arith.addi %broadcast_in_dim3A_99, %add3A_102 : vector<16xi32>
        tpu.vector_store_idx %arg10[%add3A_22, %add3A_103], %gather3A_100 : memref<512x128xf32, #tpu.memory_space<vmem>>[vector<16xi32>, vector<16xi32>], vector<16xf32>,
        %gather3A_104 = tpu.vector_load_idx %arg12[%get3A_29, %broadcast_in_dim3A_99] : memref<288x32xf32, #tpu.memory_space<vmem>>[vector<16xi32>, vector<16xi32>], vector<16xf32>,
        %add3A_105 = arith.constant 96 : i32
        %add3A_106 = vector.broadcast %add3A_105 : i32 to vector<16xi32>
        %add3A_107 = arith.addi %broadcast_in_dim3A_99, %add3A_106 : vector<16xi32>
        tpu.vector_store_idx %arg10[%add3A_22, %add3A_107], %gather3A_104 : memref<512x128xf32, #tpu.memory_space<vmem>>[vector<16xi32>, vector<16xi32>], vector<16xf32>,
        %broadcast_in_dim3A_108 = arith.constant 8 : i32
        %broadcast_in_dim3A_109 = vector.broadcast %broadcast_in_dim3A_108 : i32 to vector<16xi32>
        %gather3A_110 = tpu.vector_load_idx %arg11[%get3A_25, %broadcast_in_dim3A_109] : memref<7x32xf32, #tpu.memory_space<vmem>>[vector<16xi32>, vector<16xi32>], vector<16xf32>,
        %add3A_111 = arith.constant 64 : i32
        %add3A_112 = vector.broadcast %add3A_111 : i32 to vector<16xi32>
        %add3A_113 = arith.addi %broadcast_in_dim3A_109, %add3A_112 : vector<16xi32>
        tpu.vector_store_idx %arg10[%add3A_22, %add3A_113], %gather3A_110 : memref<512x128xf32, #tpu.memory_space<vmem>>[vector<16xi32>, vector<16xi32>], vector<16xf32>,
        %gather3A_114 = tpu.vector_load_idx %arg12[%get3A_29, %broadcast_in_dim3A_109] : memref<288x32xf32, #tpu.memory_space<vmem>>[vector<16xi32>, vector<16xi32>], vector<16xf32>,
        %add3A_115 = arith.constant 96 : i32
        %add3A_116 = vector.broadcast %add3A_115 : i32 to vector<16xi32>
        %add3A_117 = arith.addi %broadcast_in_dim3A_109, %add3A_116 : vector<16xi32>
        tpu.vector_store_idx %arg10[%add3A_22, %add3A_117], %gather3A_114 : memref<512x128xf32, #tpu.memory_space<vmem>>[vector<16xi32>, vector<16xi32>], vector<16xf32>,
        %broadcast_in_dim3A_118 = arith.constant 9 : i32
        %broadcast_in_dim3A_119 = vector.broadcast %broadcast_in_dim3A_118 : i32 to vector<16xi32>
        %gather3A_120 = tpu.vector_load_idx %arg11[%get3A_25, %broadcast_in_dim3A_119] : memref<7x32xf32, #tpu.memory_space<vmem>>[vector<16xi32>, vector<16xi32>], vector<16xf32>,
        %add3A_121 = arith.constant 64 : i32
        %add3A_122 = vector.broadcast %add3A_121 : i32 to vector<16xi32>
        %add3A_123 = arith.addi %broadcast_in_dim3A_119, %add3A_122 : vector<16xi32>
        tpu.vector_store_idx %arg10[%add3A_22, %add3A_123], %gather3A_120 : memref<512x128xf32, #tpu.memory_space<vmem>>[vector<16xi32>, vector<16xi32>], vector<16xf32>,
        %gather3A_124 = tpu.vector_load_idx %arg12[%get3A_29, %broadcast_in_dim3A_119] : memref<288x32xf32, #tpu.memory_space<vmem>>[vector<16xi32>, vector<16xi32>], vector<16xf32>,
        %add3A_125 = arith.constant 96 : i32
        %add3A_126 = vector.broadcast %add3A_125 : i32 to vector<16xi32>
        %add3A_127 = arith.addi %broadcast_in_dim3A_119, %add3A_126 : vector<16xi32>
        tpu.vector_store_idx %arg10[%add3A_22, %add3A_127], %gather3A_124 : memref<512x128xf32, #tpu.memory_space<vmem>>[vector<16xi32>, vector<16xi32>], vector<16xf32>,
        %broadcast_in_dim3A_128 = arith.constant 10 : i32
        %broadcast_in_dim3A_129 = vector.broadcast %broadcast_in_dim3A_128 : i32 to vector<16xi32>
        %gather3A_130 = tpu.vector_load_idx %arg11[%get3A_25, %broadcast_in_dim3A_129] : memref<7x32xf32, #tpu.memory_space<vmem>>[vector<16xi32>, vector<16xi32>], vector<16xf32>,
        %add3A_131 = arith.constant 64 : i32
        %add3A_132 = vector.broadcast %add3A_131 : i32 to vector<16xi32>
        %add3A_133 = arith.addi %broadcast_in_dim3A_129, %add3A_132 : vector<16xi32>
        tpu.vector_store_idx %arg10[%add3A_22, %add3A_133], %gather3A_130 : memref<512x128xf32, #tpu.memory_space<vmem>>[vector<16xi32>, vector<16xi32>], vector<16xf32>,
        %gather3A_134 = tpu.vector_load_idx %arg12[%get3A_29, %broadcast_in_dim3A_129] : memref<288x32xf32, #tpu.memory_space<vmem>>[vector<16xi32>, vector<16xi32>], vector<16xf32>,
        %add3A_135 = arith.constant 96 : i32
        %add3A_136 = vector.broadcast %add3A_135 : i32 to vector<16xi32>
        %add3A_137 = arith.addi %broadcast_in_dim3A_129, %add3A_136 : vector<16xi32>
        tpu.vector_store_idx %arg10[%add3A_22, %add3A_137], %gather3A_134 : memref<512x128xf32, #tpu.memory_space<vmem>>[vector<16xi32>, vector<16xi32>], vector<16xf32>,
        %broadcast_in_dim3A_138 = arith.constant 11 : i32
        %broadcast_in_dim3A_139 = vector.broadcast %broadcast_in_dim3A_138 : i32 to vector<16xi32>
        %gather3A_140 = tpu.vector_load_idx %arg11[%get3A_25, %broadcast_in_dim3A_139] : memref<7x32xf32, #tpu.memory_space<vmem>>[vector<16xi32>, vector<16xi32>], vector<16xf32>,
        %add3A_141 = arith.constant 64 : i32
        %add3A_142 = vector.broadcast %add3A_141 : i32 to vector<16xi32>
        %add3A_143 = arith.addi %broadcast_in_dim3A_139, %add3A_142 : vector<16xi32>
        tpu.vector_store_idx %arg10[%add3A_22, %add3A_143], %gather3A_140 : memref<512x128xf32, #tpu.memory_space<vmem>>[vector<16xi32>, vector<16xi32>], vector<16xf32>,
        %gather3A_144 = tpu.vector_load_idx %arg12[%get3A_29, %broadcast_in_dim3A_139] : memref<288x32xf32, #tpu.memory_space<vmem>>[vector<16xi32>, vector<16xi32>], vector<16xf32>,
        %add3A_145 = arith.constant 96 : i32
        %add3A_146 = vector.broadcast %add3A_145 : i32 to vector<16xi32>
        %add3A_147 = arith.addi %broadcast_in_dim3A_139, %add3A_146 : vector<16xi32>
        tpu.vector_store_idx %arg10[%add3A_22, %add3A_147], %gather3A_144 : memref<512x128xf32, #tpu.memory_space<vmem>>[vector<16xi32>, vector<16xi32>], vector<16xf32>,
        %broadcast_in_dim3A_148 = arith.constant 12 : i32
        %broadcast_in_dim3A_149 = vector.broadcast %broadcast_in_dim3A_148 : i32 to vector<16xi32>
        %gather3A_150 = tpu.vector_load_idx %arg11[%get3A_25, %broadcast_in_dim3A_149] : memref<7x32xf32, #tpu.memory_space<vmem>>[vector<16xi32>, vector<16xi32>], vector<16xf32>,
        %add3A_151 = arith.constant 64 : i32
        %add3A_152 = vector.broadcast %add3A_151 : i32 to vector<16xi32>
        %add3A_153 = arith.addi %broadcast_in_dim3A_149, %add3A_152 : vector<16xi32>
        tpu.vector_store_idx %arg10[%add3A_22, %add3A_153], %gather3A_150 : memref<512x128xf32, #tpu.memory_space<vmem>>[vector<16xi32>, vector<16xi32>], vector<16xf32>,
        %gather3A_154 = tpu.vector_load_idx %arg12[%get3A_29, %broadcast_in_dim3A_149] : memref<288x32xf32, #tpu.memory_space<vmem>>[vector<16xi32>, vector<16xi32>], vector<16xf32>,
        %add3A_155 = arith.constant 96 : i32
        %add3A_156 = vector.broadcast %add3A_155 : i32 to vector<16xi32>
        %add3A_157 = arith.addi %broadcast_in_dim3A_149, %add3A_156 : vector<16xi32>
        tpu.vector_store_idx %arg10[%add3A_22, %add3A_157], %gather3A_154 : memref<512x128xf32, #tpu.memory_space<vmem>>[vector<16xi32>, vector<16xi32>], vector<16xf32>,
        %broadcast_in_dim3A_158 = arith.constant 13 : i32
        %broadcast_in_dim3A_159 = vector.broadcast %broadcast_in_dim3A_158 : i32 to vector<16xi32>
        %gather3A_160 = tpu.vector_load_idx %arg11[%get3A_25, %broadcast_in_dim3A_159] : memref<7x32xf32, #tpu.memory_space<vmem>>[vector<16xi32>, vector<16xi32>], vector<16xf32>,
        %add3A_161 = arith.constant 64 : i32
        %add3A_162 = vector.broadcast %add3A_161 : i32 to vector<16xi32>
        %add3A_163 = arith.addi %broadcast_in_dim3A_159, %add3A_162 : vector<16xi32>
        tpu.vector_store_idx %arg10[%add3A_22, %add3A_163], %gather3A_160 : memref<512x128xf32, #tpu.memory_space<vmem>>[vector<16xi32>, vector<16xi32>], vector<16xf32>,
        %gather3A_164 = tpu.vector_load_idx %arg12[%get3A_29, %broadcast_in_dim3A_159] : memref<288x32xf32, #tpu.memory_space<vmem>>[vector<16xi32>, vector<16xi32>], vector<16xf32>,
        %add3A_165 = arith.constant 96 : i32
        %add3A_166 = vector.broadcast %add3A_165 : i32 to vector<16xi32>
        %add3A_167 = arith.addi %broadcast_in_dim3A_159, %add3A_166 : vector<16xi32>
        tpu.vector_store_idx %arg10[%add3A_22, %add3A_167], %gather3A_164 : memref<512x128xf32, #tpu.memory_space<vmem>>[vector<16xi32>, vector<16xi32>], vector<16xf32>,
        %broadcast_in_dim3A_168 = arith.constant 14 : i32
        %broadcast_in_dim3A_169 = vector.broadcast %broadcast_in_dim3A_168 : i32 to vector<16xi32>
        %gather3A_170 = tpu.vector_load_idx %arg11[%get3A_25, %broadcast_in_dim3A_169] : memref<7x32xf32, #tpu.memory_space<vmem>>[vector<16xi32>, vector<16xi32>], vector<16xf32>,
        %add3A_171 = arith.constant 64 : i32
        %add3A_172 = vector.broadcast %add3A_171 : i32 to vector<16xi32>
        %add3A_173 = arith.addi %broadcast_in_dim3A_169, %add3A_172 : vector<16xi32>
        tpu.vector_store_idx %arg10[%add3A_22, %add3A_173], %gather3A_170 : memref<512x128xf32, #tpu.memory_space<vmem>>[vector<16xi32>, vector<16xi32>], vector<16xf32>,
        %gather3A_174 = tpu.vector_load_idx %arg12[%get3A_29, %broadcast_in_dim3A_169] : memref<288x32xf32, #tpu.memory_space<vmem>>[vector<16xi32>, vector<16xi32>], vector<16xf32>,
        %add3A_175 = arith.constant 96 : i32
        %add3A_176 = vector.broadcast %add3A_175 : i32 to vector<16xi32>
        %add3A_177 = arith.addi %broadcast_in_dim3A_169, %add3A_176 : vector<16xi32>
        tpu.vector_store_idx %arg10[%add3A_22, %add3A_177], %gather3A_174 : memref<512x128xf32, #tpu.memory_space<vmem>>[vector<16xi32>, vector<16xi32>], vector<16xf32>,
        %broadcast_in_dim3A_178 = arith.constant 15 : i32
        %broadcast_in_dim3A_179 = vector.broadcast %broadcast_in_dim3A_178 : i32 to vector<16xi32>
        %gather3A_180 = tpu.vector_load_idx %arg11[%get3A_25, %broadcast_in_dim3A_179] : memref<7x32xf32, #tpu.memory_space<vmem>>[vector<16xi32>, vector<16xi32>], vector<16xf32>,
        %add3A_181 = arith.constant 64 : i32
        %add3A_182 = vector.broadcast %add3A_181 : i32 to vector<16xi32>
        %add3A_183 = arith.addi %broadcast_in_dim3A_179, %add3A_182 : vector<16xi32>
        tpu.vector_store_idx %arg10[%add3A_22, %add3A_183], %gather3A_180 : memref<512x128xf32, #tpu.memory_space<vmem>>[vector<16xi32>, vector<16xi32>], vector<16xf32>,
        %gather3A_184 = tpu.vector_load_idx %arg12[%get3A_29, %broadcast_in_dim3A_179] : memref<288x32xf32, #tpu.memory_space<vmem>>[vector<16xi32>, vector<16xi32>], vector<16xf32>,
        %add3A_185 = arith.constant 96 : i32
        %add3A_186 = vector.broadcast %add3A_185 : i32 to vector<16xi32>
        %add3A_187 = arith.addi %broadcast_in_dim3A_179, %add3A_186 : vector<16xi32>
        tpu.vector_store_idx %arg10[%add3A_22, %add3A_187], %gather3A_184 : memref<512x128xf32, #tpu.memory_space<vmem>>[vector<16xi32>, vector<16xi32>], vector<16xf32>,
        %broadcast_in_dim3A_188 = arith.constant 16 : i32
        %broadcast_in_dim3A_189 = vector.broadcast %broadcast_in_dim3A_188 : i32 to vector<16xi32>
        %gather3A_190 = tpu.vector_load_idx %arg11[%get3A_25, %broadcast_in_dim3A_189] : memref<7x32xf32, #tpu.memory_space<vmem>>[vector<16xi32>, vector<16xi32>], vector<16xf32>,
        %add3A_191 = arith.constant 64 : i32
        %add3A_192 = vector.broadcast %add3A_191 : i32 to vector<16xi32>
        %add3A_193 = arith.addi %broadcast_in_dim3A_189, %add3A_192 : vector<16xi32>
        tpu.vector_store_idx %arg10[%add3A_22, %add3A_193], %gather3A_190 : memref<512x128xf32, #tpu.memory_space<vmem>>[vector<16xi32>, vector<16xi32>], vector<16xf32>,
        %gather3A_194 = tpu.vector_load_idx %arg12[%get3A_29, %broadcast_in_dim3A_189] : memref<288x32xf32, #tpu.memory_space<vmem>>[vector<16xi32>, vector<16xi32>], vector<16xf32>,
        %add3A_195 = arith.constant 96 : i32
        %add3A_196 = vector.broadcast %add3A_195 : i32 to vector<16xi32>
        %add3A_197 = arith.addi %broadcast_in_dim3A_189, %add3A_196 : vector<16xi32>
        tpu.vector_store_idx %arg10[%add3A_22, %add3A_197], %gather3A_194 : memref<512x128xf32, #tpu.memory_space<vmem>>[vector<16xi32>, vector<16xi32>], vector<16xf32>,
        %broadcast_in_dim3A_198 = arith.constant 17 : i32
        %broadcast_in_dim3A_199 = vector.broadcast %broadcast_in_dim3A_198 : i32 to vector<16xi32>
        %gather3A_200 = tpu.vector_load_idx %arg11[%get3A_25, %broadcast_in_dim3A_199] : memref<7x32xf32, #tpu.memory_space<vmem>>[vector<16xi32>, vector<16xi32>], vector<16xf32>,
        %add3A_201 = arith.constant 64 : i32
        %add3A_202 = vector.broadcast %add3A_201 : i32 to vector<16xi32>
        %add3A_203 = arith.addi %broadcast_in_dim3A_199, %add3A_202 : vector<16xi32>
        tpu.vector_store_idx %arg10[%add3A_22, %add3A_203], %gather3A_200 : memref<512x128xf32, #tpu.memory_space<vmem>>[vector<16xi32>, vector<16xi32>], vector<16xf32>,
        %gather3A_204 = tpu.vector_load_idx %arg12[%get3A_29, %broadcast_in_dim3A_199] : memref<288x32xf32, #tpu.memory_space<vmem>>[vector<16xi32>, vector<16xi32>], vector<16xf32>,
        %add3A_205 = arith.constant 96 : i32
        %add3A_206 = vector.broadcast %add3A_205 : i32 to vector<16xi32>
        %add3A_207 = arith.addi %broadcast_in_dim3A_199, %add3A_206 : vector<16xi32>
        tpu.vector_store_idx %arg10[%add3A_22, %add3A_207], %gather3A_204 : memref<512x128xf32, #tpu.memory_space<vmem>>[vector<16xi32>, vector<16xi32>], vector<16xf32>,
        %broadcast_in_dim3A_208 = arith.constant 18 : i32
        %broadcast_in_dim3A_209 = vector.broadcast %broadcast_in_dim3A_208 : i32 to vector<16xi32>
        %gather3A_210 = tpu.vector_load_idx %arg11[%get3A_25, %broadcast_in_dim3A_209] : memref<7x32xf32, #tpu.memory_space<vmem>>[vector<16xi32>, vector<16xi32>], vector<16xf32>,
        %add3A_211 = arith.constant 64 : i32
        %add3A_212 = vector.broadcast %add3A_211 : i32 to vector<16xi32>
        %add3A_213 = arith.addi %broadcast_in_dim3A_209, %add3A_212 : vector<16xi32>
        tpu.vector_store_idx %arg10[%add3A_22, %add3A_213], %gather3A_210 : memref<512x128xf32, #tpu.memory_space<vmem>>[vector<16xi32>, vector<16xi32>], vector<16xf32>,
        %gather3A_214 = tpu.vector_load_idx %arg12[%get3A_29, %broadcast_in_dim3A_209] : memref<288x32xf32, #tpu.memory_space<vmem>>[vector<16xi32>, vector<16xi32>], vector<16xf32>,
        %add3A_215 = arith.constant 96 : i32
        %add3A_216 = vector.broadcast %add3A_215 : i32 to vector<16xi32>
        %add3A_217 = arith.addi %broadcast_in_dim3A_209, %add3A_216 : vector<16xi32>
        tpu.vector_store_idx %arg10[%add3A_22, %add3A_217], %gather3A_214 : memref<512x128xf32, #tpu.memory_space<vmem>>[vector<16xi32>, vector<16xi32>], vector<16xf32>,
        %broadcast_in_dim3A_218 = arith.constant 19 : i32
        %broadcast_in_dim3A_219 = vector.broadcast %broadcast_in_dim3A_218 : i32 to vector<16xi32>
        %gather3A_220 = tpu.vector_load_idx %arg11[%get3A_25, %broadcast_in_dim3A_219] : memref<7x32xf32, #tpu.memory_space<vmem>>[vector<16xi32>, vector<16xi32>], vector<16xf32>,
        %add3A_221 = arith.constant 64 : i32
        %add3A_222 = vector.broadcast %add3A_221 : i32 to vector<16xi32>
        %add3A_223 = arith.addi %broadcast_in_dim3A_219, %add3A_222 : vector<16xi32>
        tpu.vector_store_idx %arg10[%add3A_22, %add3A_223], %gather3A_220 : memref<512x128xf32, #tpu.memory_space<vmem>>[vector<16xi32>, vector<16xi32>], vector<16xf32>,
        %gather3A_224 = tpu.vector_load_idx %arg12[%get3A_29, %broadcast_in_dim3A_219] : memref<288x32xf32, #tpu.memory_space<vmem>>[vector<16xi32>, vector<16xi32>], vector<16xf32>,
        %add3A_225 = arith.constant 96 : i32
        %add3A_226 = vector.broadcast %add3A_225 : i32 to vector<16xi32>
        %add3A_227 = arith.addi %broadcast_in_dim3A_219, %add3A_226 : vector<16xi32>
        tpu.vector_store_idx %arg10[%add3A_22, %add3A_227], %gather3A_224 : memref<512x128xf32, #tpu.memory_space<vmem>>[vector<16xi32>, vector<16xi32>], vector<16xf32>,
        %broadcast_in_dim3A_228 = arith.constant 20 : i32
        %broadcast_in_dim3A_229 = vector.broadcast %broadcast_in_dim3A_228 : i32 to vector<16xi32>
        %gather3A_230 = tpu.vector_load_idx %arg11[%get3A_25, %broadcast_in_dim3A_229] : memref<7x32xf32, #tpu.memory_space<vmem>>[vector<16xi32>, vector<16xi32>], vector<16xf32>,
        %add3A_231 = arith.constant 64 : i32
        %add3A_232 = vector.broadcast %add3A_231 : i32 to vector<16xi32>
        %add3A_233 = arith.addi %broadcast_in_dim3A_229, %add3A_232 : vector<16xi32>
        tpu.vector_store_idx %arg10[%add3A_22, %add3A_233], %gather3A_230 : memref<512x128xf32, #tpu.memory_space<vmem>>[vector<16xi32>, vector<16xi32>], vector<16xf32>,
        %gather3A_234 = tpu.vector_load_idx %arg12[%get3A_29, %broadcast_in_dim3A_229] : memref<288x32xf32, #tpu.memory_space<vmem>>[vector<16xi32>, vector<16xi32>], vector<16xf32>,
        %add3A_235 = arith.constant 96 : i32
        %add3A_236 = vector.broadcast %add3A_235 : i32 to vector<16xi32>
        %add3A_237 = arith.addi %broadcast_in_dim3A_229, %add3A_236 : vector<16xi32>
        tpu.vector_store_idx %arg10[%add3A_22, %add3A_237], %gather3A_234 : memref<512x128xf32, #tpu.memory_space<vmem>>[vector<16xi32>, vector<16xi32>], vector<16xf32>,
        %broadcast_in_dim3A_238 = arith.constant 21 : i32
        %broadcast_in_dim3A_239 = vector.broadcast %broadcast_in_dim3A_238 : i32 to vector<16xi32>
        %gather3A_240 = tpu.vector_load_idx %arg11[%get3A_25, %broadcast_in_dim3A_239] : memref<7x32xf32, #tpu.memory_space<vmem>>[vector<16xi32>, vector<16xi32>], vector<16xf32>,
        %add3A_241 = arith.constant 64 : i32
        %add3A_242 = vector.broadcast %add3A_241 : i32 to vector<16xi32>
        %add3A_243 = arith.addi %broadcast_in_dim3A_239, %add3A_242 : vector<16xi32>
        tpu.vector_store_idx %arg10[%add3A_22, %add3A_243], %gather3A_240 : memref<512x128xf32, #tpu.memory_space<vmem>>[vector<16xi32>, vector<16xi32>], vector<16xf32>,
        %gather3A_244 = tpu.vector_load_idx %arg12[%get3A_29, %broadcast_in_dim3A_239] : memref<288x32xf32, #tpu.memory_space<vmem>>[vector<16xi32>, vector<16xi32>], vector<16xf32>,
        %add3A_245 = arith.constant 96 : i32
        %add3A_246 = vector.broadcast %add3A_245 : i32 to vector<16xi32>
        %add3A_247 = arith.addi %broadcast_in_dim3A_239, %add3A_246 : vector<16xi32>
        tpu.vector_store_idx %arg10[%add3A_22, %add3A_247], %gather3A_244 : memref<512x128xf32, #tpu.memory_space<vmem>>[vector<16xi32>, vector<16xi32>], vector<16xf32>,
        %broadcast_in_dim3A_248 = arith.constant 22 : i32
        %broadcast_in_dim3A_249 = vector.broadcast %broadcast_in_dim3A_248 : i32 to vector<16xi32>
        %gather3A_250 = tpu.vector_load_idx %arg11[%get3A_25, %broadcast_in_dim3A_249] : memref<7x32xf32, #tpu.memory_space<vmem>>[vector<16xi32>, vector<16xi32>], vector<16xf32>,
        %add3A_251 = arith.constant 64 : i32
        %add3A_252 = vector.broadcast %add3A_251 : i32 to vector<16xi32>
        %add3A_253 = arith.addi %broadcast_in_dim3A_249, %add3A_252 : vector<16xi32>
        tpu.vector_store_idx %arg10[%add3A_22, %add3A_253], %gather3A_250 : memref<512x128xf32, #tpu.memory_space<vmem>>[vector<16xi32>, vector<16xi32>], vector<16xf32>,
        %gather3A_254 = tpu.vector_load_idx %arg12[%get3A_29, %broadcast_in_dim3A_249] : memref<288x32xf32, #tpu.memory_space<vmem>>[vector<16xi32>, vector<16xi32>], vector<16xf32>,
        %add3A_255 = arith.constant 96 : i32
        %add3A_256 = vector.broadcast %add3A_255 : i32 to vector<16xi32>
        %add3A_257 = arith.addi %broadcast_in_dim3A_249, %add3A_256 : vector<16xi32>
        tpu.vector_store_idx %arg10[%add3A_22, %add3A_257], %gather3A_254 : memref<512x128xf32, #tpu.memory_space<vmem>>[vector<16xi32>, vector<16xi32>], vector<16xf32>,
        %broadcast_in_dim3A_258 = arith.constant 23 : i32
        %broadcast_in_dim3A_259 = vector.broadcast %broadcast_in_dim3A_258 : i32 to vector<16xi32>
        %gather3A_260 = tpu.vector_load_idx %arg11[%get3A_25, %broadcast_in_dim3A_259] : memref<7x32xf32, #tpu.memory_space<vmem>>[vector<16xi32>, vector<16xi32>], vector<16xf32>,
        %add3A_261 = arith.constant 64 : i32
        %add3A_262 = vector.broadcast %add3A_261 : i32 to vector<16xi32>
        %add3A_263 = arith.addi %broadcast_in_dim3A_259, %add3A_262 : vector<16xi32>
        tpu.vector_store_idx %arg10[%add3A_22, %add3A_263], %gather3A_260 : memref<512x128xf32, #tpu.memory_space<vmem>>[vector<16xi32>, vector<16xi32>], vector<16xf32>,
        %gather3A_264 = tpu.vector_load_idx %arg12[%get3A_29, %broadcast_in_dim3A_259] : memref<288x32xf32, #tpu.memory_space<vmem>>[vector<16xi32>, vector<16xi32>], vector<16xf32>,
        %add3A_265 = arith.constant 96 : i32
        %add3A_266 = vector.broadcast %add3A_265 : i32 to vector<16xi32>
        %add3A_267 = arith.addi %broadcast_in_dim3A_259, %add3A_266 : vector<16xi32>
        tpu.vector_store_idx %arg10[%add3A_22, %add3A_267], %gather3A_264 : memref<512x128xf32, #tpu.memory_space<vmem>>[vector<16xi32>, vector<16xi32>], vector<16xf32>,
        %broadcast_in_dim3A_268 = arith.constant 24 : i32
        %broadcast_in_dim3A_269 = vector.broadcast %broadcast_in_dim3A_268 : i32 to vector<16xi32>
        %gather3A_270 = tpu.vector_load_idx %arg11[%get3A_25, %broadcast_in_dim3A_269] : memref<7x32xf32, #tpu.memory_space<vmem>>[vector<16xi32>, vector<16xi32>], vector<16xf32>,
        %add3A_271 = arith.constant 64 : i32
        %add3A_272 = vector.broadcast %add3A_271 : i32 to vector<16xi32>
        %add3A_273 = arith.addi %broadcast_in_dim3A_269, %add3A_272 : vector<16xi32>
        tpu.vector_store_idx %arg10[%add3A_22, %add3A_273], %gather3A_270 : memref<512x128xf32, #tpu.memory_space<vmem>>[vector<16xi32>, vector<16xi32>], vector<16xf32>,
        %gather3A_274 = tpu.vector_load_idx %arg12[%get3A_29, %broadcast_in_dim3A_269] : memref<288x32xf32, #tpu.memory_space<vmem>>[vector<16xi32>, vector<16xi32>], vector<16xf32>,
        %add3A_275 = arith.constant 96 : i32
        %add3A_276 = vector.broadcast %add3A_275 : i32 to vector<16xi32>
        %add3A_277 = arith.addi %broadcast_in_dim3A_269, %add3A_276 : vector<16xi32>
        tpu.vector_store_idx %arg10[%add3A_22, %add3A_277], %gather3A_274 : memref<512x128xf32, #tpu.memory_space<vmem>>[vector<16xi32>, vector<16xi32>], vector<16xf32>,
        %broadcast_in_dim3A_278 = arith.constant 25 : i32
        %broadcast_in_dim3A_279 = vector.broadcast %broadcast_in_dim3A_278 : i32 to vector<16xi32>
        %gather3A_280 = tpu.vector_load_idx %arg11[%get3A_25, %broadcast_in_dim3A_279] : memref<7x32xf32, #tpu.memory_space<vmem>>[vector<16xi32>, vector<16xi32>], vector<16xf32>,
        %add3A_281 = arith.constant 64 : i32
        %add3A_282 = vector.broadcast %add3A_281 : i32 to vector<16xi32>
        %add3A_283 = arith.addi %broadcast_in_dim3A_279, %add3A_282 : vector<16xi32>
        tpu.vector_store_idx %arg10[%add3A_22, %add3A_283], %gather3A_280 : memref<512x128xf32, #tpu.memory_space<vmem>>[vector<16xi32>, vector<16xi32>], vector<16xf32>,
        %gather3A_284 = tpu.vector_load_idx %arg12[%get3A_29, %broadcast_in_dim3A_279] : memref<288x32xf32, #tpu.memory_space<vmem>>[vector<16xi32>, vector<16xi32>], vector<16xf32>,
        %add3A_285 = arith.constant 96 : i32
        %add3A_286 = vector.broadcast %add3A_285 : i32 to vector<16xi32>
        %add3A_287 = arith.addi %broadcast_in_dim3A_279, %add3A_286 : vector<16xi32>
        tpu.vector_store_idx %arg10[%add3A_22, %add3A_287], %gather3A_284 : memref<512x128xf32, #tpu.memory_space<vmem>>[vector<16xi32>, vector<16xi32>], vector<16xf32>,
        %broadcast_in_dim3A_288 = arith.constant 26 : i32
        %broadcast_in_dim3A_289 = vector.broadcast %broadcast_in_dim3A_288 : i32 to vector<16xi32>
        %gather3A_290 = tpu.vector_load_idx %arg11[%get3A_25, %broadcast_in_dim3A_289] : memref<7x32xf32, #tpu.memory_space<vmem>>[vector<16xi32>, vector<16xi32>], vector<16xf32>,
        %add3A_291 = arith.constant 64 : i32
        %add3A_292 = vector.broadcast %add3A_291 : i32 to vector<16xi32>
        %add3A_293 = arith.addi %broadcast_in_dim3A_289, %add3A_292 : vector<16xi32>
        tpu.vector_store_idx %arg10[%add3A_22, %add3A_293], %gather3A_290 : memref<512x128xf32, #tpu.memory_space<vmem>>[vector<16xi32>, vector<16xi32>], vector<16xf32>,
        %gather3A_294 = tpu.vector_load_idx %arg12[%get3A_29, %broadcast_in_dim3A_289] : memref<288x32xf32, #tpu.memory_space<vmem>>[vector<16xi32>, vector<16xi32>], vector<16xf32>,
        %add3A_295 = arith.constant 96 : i32
        %add3A_296 = vector.broadcast %add3A_295 : i32 to vector<16xi32>
        %add3A_297 = arith.addi %broadcast_in_dim3A_289, %add3A_296 : vector<16xi32>
        tpu.vector_store_idx %arg10[%add3A_22, %add3A_297], %gather3A_294 : memref<512x128xf32, #tpu.memory_space<vmem>>[vector<16xi32>, vector<16xi32>], vector<16xf32>,
        %broadcast_in_dim3A_298 = arith.constant 27 : i32
        %broadcast_in_dim3A_299 = vector.broadcast %broadcast_in_dim3A_298 : i32 to vector<16xi32>
        %gather3A_300 = tpu.vector_load_idx %arg11[%get3A_25, %broadcast_in_dim3A_299] : memref<7x32xf32, #tpu.memory_space<vmem>>[vector<16xi32>, vector<16xi32>], vector<16xf32>,
        %add3A_301 = arith.constant 64 : i32
        %add3A_302 = vector.broadcast %add3A_301 : i32 to vector<16xi32>
        %add3A_303 = arith.addi %broadcast_in_dim3A_299, %add3A_302 : vector<16xi32>
        tpu.vector_store_idx %arg10[%add3A_22, %add3A_303], %gather3A_300 : memref<512x128xf32, #tpu.memory_space<vmem>>[vector<16xi32>, vector<16xi32>], vector<16xf32>,
        %gather3A_304 = tpu.vector_load_idx %arg12[%get3A_29, %broadcast_in_dim3A_299] : memref<288x32xf32, #tpu.memory_space<vmem>>[vector<16xi32>, vector<16xi32>], vector<16xf32>,
        %add3A_305 = arith.constant 96 : i32
        %add3A_306 = vector.broadcast %add3A_305 : i32 to vector<16xi32>
        %add3A_307 = arith.addi %broadcast_in_dim3A_299, %add3A_306 : vector<16xi32>
        tpu.vector_store_idx %arg10[%add3A_22, %add3A_307], %gather3A_304 : memref<512x128xf32, #tpu.memory_space<vmem>>[vector<16xi32>, vector<16xi32>], vector<16xf32>,
        %broadcast_in_dim3A_308 = arith.constant 28 : i32
        %broadcast_in_dim3A_309 = vector.broadcast %broadcast_in_dim3A_308 : i32 to vector<16xi32>
        %gather3A_310 = tpu.vector_load_idx %arg11[%get3A_25, %broadcast_in_dim3A_309] : memref<7x32xf32, #tpu.memory_space<vmem>>[vector<16xi32>, vector<16xi32>], vector<16xf32>,
        %add3A_311 = arith.constant 64 : i32
        %add3A_312 = vector.broadcast %add3A_311 : i32 to vector<16xi32>
        %add3A_313 = arith.addi %broadcast_in_dim3A_309, %add3A_312 : vector<16xi32>
        tpu.vector_store_idx %arg10[%add3A_22, %add3A_313], %gather3A_310 : memref<512x128xf32, #tpu.memory_space<vmem>>[vector<16xi32>, vector<16xi32>], vector<16xf32>,
        %gather3A_314 = tpu.vector_load_idx %arg12[%get3A_29, %broadcast_in_dim3A_309] : memref<288x32xf32, #tpu.memory_space<vmem>>[vector<16xi32>, vector<16xi32>], vector<16xf32>,
        %add3A_315 = arith.constant 96 : i32
        %add3A_316 = vector.broadcast %add3A_315 : i32 to vector<16xi32>
        %add3A_317 = arith.addi %broadcast_in_dim3A_309, %add3A_316 : vector<16xi32>
        tpu.vector_store_idx %arg10[%add3A_22, %add3A_317], %gather3A_314 : memref<512x128xf32, #tpu.memory_space<vmem>>[vector<16xi32>, vector<16xi32>], vector<16xf32>,
        %broadcast_in_dim3A_318 = arith.constant 29 : i32
        %broadcast_in_dim3A_319 = vector.broadcast %broadcast_in_dim3A_318 : i32 to vector<16xi32>
        %gather3A_320 = tpu.vector_load_idx %arg11[%get3A_25, %broadcast_in_dim3A_319] : memref<7x32xf32, #tpu.memory_space<vmem>>[vector<16xi32>, vector<16xi32>], vector<16xf32>,
        %add3A_321 = arith.constant 64 : i32
        %add3A_322 = vector.broadcast %add3A_321 : i32 to vector<16xi32>
        %add3A_323 = arith.addi %broadcast_in_dim3A_319, %add3A_322 : vector<16xi32>
        tpu.vector_store_idx %arg10[%add3A_22, %add3A_323], %gather3A_320 : memref<512x128xf32, #tpu.memory_space<vmem>>[vector<16xi32>, vector<16xi32>], vector<16xf32>,
        %gather3A_324 = tpu.vector_load_idx %arg12[%get3A_29, %broadcast_in_dim3A_319] : memref<288x32xf32, #tpu.memory_space<vmem>>[vector<16xi32>, vector<16xi32>], vector<16xf32>,
        %add3A_325 = arith.constant 96 : i32
        %add3A_326 = vector.broadcast %add3A_325 : i32 to vector<16xi32>
        %add3A_327 = arith.addi %broadcast_in_dim3A_319, %add3A_326 : vector<16xi32>
        tpu.vector_store_idx %arg10[%add3A_22, %add3A_327], %gather3A_324 : memref<512x128xf32, #tpu.memory_space<vmem>>[vector<16xi32>, vector<16xi32>], vector<16xf32>,
        %broadcast_in_dim3A_328 = arith.constant 30 : i32
        %broadcast_in_dim3A_329 = vector.broadcast %broadcast_in_dim3A_328 : i32 to vector<16xi32>
        %gather3A_330 = tpu.vector_load_idx %arg11[%get3A_25, %broadcast_in_dim3A_329] : memref<7x32xf32, #tpu.memory_space<vmem>>[vector<16xi32>, vector<16xi32>], vector<16xf32>,
        %add3A_331 = arith.constant 64 : i32
        %add3A_332 = vector.broadcast %add3A_331 : i32 to vector<16xi32>
        %add3A_333 = arith.addi %broadcast_in_dim3A_329, %add3A_332 : vector<16xi32>
        tpu.vector_store_idx %arg10[%add3A_22, %add3A_333], %gather3A_330 : memref<512x128xf32, #tpu.memory_space<vmem>>[vector<16xi32>, vector<16xi32>], vector<16xf32>,
        %gather3A_334 = tpu.vector_load_idx %arg12[%get3A_29, %broadcast_in_dim3A_329] : memref<288x32xf32, #tpu.memory_space<vmem>>[vector<16xi32>, vector<16xi32>], vector<16xf32>,
        %add3A_335 = arith.constant 96 : i32
        %add3A_336 = vector.broadcast %add3A_335 : i32 to vector<16xi32>
        %add3A_337 = arith.addi %broadcast_in_dim3A_329, %add3A_336 : vector<16xi32>
        tpu.vector_store_idx %arg10[%add3A_22, %add3A_337], %gather3A_334 : memref<512x128xf32, #tpu.memory_space<vmem>>[vector<16xi32>, vector<16xi32>], vector<16xf32>,
        %broadcast_in_dim3A_338 = arith.constant 31 : i32
        %broadcast_in_dim3A_339 = vector.broadcast %broadcast_in_dim3A_338 : i32 to vector<16xi32>
        %gather3A_340 = tpu.vector_load_idx %arg11[%get3A_25, %broadcast_in_dim3A_339] : memref<7x32xf32, #tpu.memory_space<vmem>>[vector<16xi32>, vector<16xi32>], vector<16xf32>,
        %add3A_341 = arith.constant 64 : i32
        %add3A_342 = vector.broadcast %add3A_341 : i32 to vector<16xi32>
        %add3A_343 = arith.addi %broadcast_in_dim3A_339, %add3A_342 : vector<16xi32>
        tpu.vector_store_idx %arg10[%add3A_22, %add3A_343], %gather3A_340 : memref<512x128xf32, #tpu.memory_space<vmem>>[vector<16xi32>, vector<16xi32>], vector<16xf32>,
        %gather3A_344 = tpu.vector_load_idx %arg12[%get3A_29, %broadcast_in_dim3A_339] : memref<288x32xf32, #tpu.memory_space<vmem>>[vector<16xi32>, vector<16xi32>], vector<16xf32>,
        %add3A_345 = arith.constant 96 : i32
        %add3A_346 = vector.broadcast %add3A_345 : i32 to vector<16xi32>
        %add3A_347 = arith.addi %broadcast_in_dim3A_339, %add3A_346 : vector<16xi32>
        tpu.vector_store_idx %arg10[%add3A_22, %add3A_347], %gather3A_344 : memref<512x128xf32, #tpu.memory_space<vmem>>[vector<16xi32>, vector<16xi32>], vector<16xf32>,
      }
      %scan3A_17 = arith.constant 32 : i32
      "tpu.region"() ({
        %run_scoped3A = tpu.sem_alloc : memref<!tpu.dma_semaphore, #tpu.memory_space<semaphore_mem>>
        %dma_start3A = arith.constant 0 : i32
        %dma_start3A_18 = tpu.memref_slice %arg7[%add3A_11, %dma_start3A] : memref<819200x128xf32, #tpu.memory_space<hbm>> -> memref<512x128xf32, #tpu.memory_space<hbm>>
        %dma_start3A_19 = arith.constant 0 : i32
        %dma_start3A_20 = tpu.memref_slice %arg7[%add3A_11, %dma_start3A_19] : memref<819200x128xf32, #tpu.memory_space<hbm>> -> memref<512x128xf32, #tpu.memory_space<hbm>>
        tpu.enqueue_dma source(%arg10 : memref<512x128xf32, #tpu.memory_space<vmem>>) target(%dma_start3A_20 : memref<512x128xf32, #tpu.memory_space<hbm>>) target_semaphore(%run_scoped3A : memref<!tpu.dma_semaphore, #tpu.memory_space<semaphore_mem>>)
        %dma_wait3A = arith.constant 0 : i32
        %dma_wait3A_21 = tpu.memref_slice %arg7[%add3A_11, %dma_wait3A] : memref<819200x128xf32, #tpu.memory_space<hbm>> -> memref<512x128xf32, #tpu.memory_space<hbm>>
        %dma_wait3A_22 = arith.constant 0 : i32
        %dma_wait3A_23 = tpu.memref_slice %arg7[%add3A_11, %dma_wait3A_22] : memref<819200x128xf32, #tpu.memory_space<hbm>> -> memref<512x128xf32, #tpu.memory_space<hbm>>
        tpu.wait_dma2 semaphore(%run_scoped3A : memref<!tpu.dma_semaphore, #tpu.memory_space<semaphore_mem>>) src(%arg10 : memref<512x128xf32, #tpu.memory_space<vmem>>) dst(%dma_wait3A_23 : memref<512x128xf32, #tpu.memory_space<hbm>>)
        tpu.yield
      }) : () -> ()
    }
    %scan3A_5 = arith.constant 50 : i32
    return
  }
}

</mosaic_0001>

<sc_bundles>
// kernel: kernel.3.cloned.1.call-start
scs
__scs_entry_jumppad:
0x0: {  	(pc) =	sbr.rel $0x88, $3  }
0x1: {  	(tag) =	ssettag $0x0;
	lr =	simm.s32 $0x1  }
0x2: {  	[smem:$0x3F9D] =	sst lr;
	_ =	strace $0xD0000000  }
0x3: {  	_ = 	snop  }
0x4: {  	_ = 	snop  }
0x5: {  	_ = 	snop  }
0x6: {  	_ = 	snop  }
0x7: {  	_ = 	snop  }
__scs_overlays_trampoline_lowered:
0x8: {  	[smem:$0x3FAC] =	sst s0  }
0x9: {  	[smem:$0x3FAD] =	sst s1  }
0xa: {  	[smem:$0x3FAE] =	sst s2  }
0xb: {  	[smem:$0x3FAF] =	sst s3  }
0xc: {  	[smem:$0x3FB0] =	sst s4  }
0xd: {  	[smem:$0x3FB1] =	sst s5  }
0xe: {  	[smem:$0x3FB2] =	sst s6  }
0xf: {  	[smem:$0x3FB3] =	sst s7  }
0x10: {  	[smem:$0x3FB4] =	sst s8  }
0x11: {  	[smem:$0x3FB5] =	sst s9;
	s0 =	simm.s32 @!p0 $0x0  }
0x12: {  	s1 =	sld [smem:$0x3F9B];
	s0 =	simm.s32 @p0 $0x1  }
0x13: {  	[smem:$0x3FB6] =	sst s0;
	s0 =	simm.s32 @!p1 $0x0  }
0x14: {  	s2 =	sld [smem:$0x3F9A];
	s0 =	simm.s32 @p1 $0x1  }
0x15: {  	[smem:$0x3FB7] =	sst s0;
	s0 =	simm.s32 @!p2 $0x0  }
0x16: {  	s3 =	sld [smem:$0x3FDB];
	s0 =	simm.s32 @p2 $0x1  }
0x17: {  	s4 =	simm.s32 $0x1BF5;
	[smem:$0x3FB9] =	sst s0  }
0x18: {  	s0 =	sld [smem:$0x3F9C];
	_ =	swait.ge [sflag:s4], $0x0  }
0x19: {  	s7 =	sld [smem:$0x3F9D]  }
0x1a: {  	s8 =	sadd.s32 $0xFFFFE003, lr  }
0x1b: {  	s9 =	sadd.s32 $0xFFFFFEF7, lr;
	s5 =	simm.s32 $0xFFFFFFFF;
	p2 =	slt.u32 s8, $0xFFFFF086  }
0x1c: {  	p1 =	slt.u32 s9, $0xF7A;
	s5 =	simm.s32 @!p2 $0x0  }
0x1d: {  	s5 =	simm.s32 @p1 $0x1;
	p0 =	seq.s32 s7, s2  }
0x1e: {  	s7 =	smul.u32 @!p0 $0xF7A, s2;
	p2 =	seq.s32 @!p0 s5, $0x0  }
0x1f: {  	s9 =	smul.u32 $0xF7A, s1;
	s8 =	simm.s32 @!p0 $0x1BF5;
	p2 =	por !p2, p0  }
0x20: {  	[sflag:s8] =	ssyncset.s32 @!p0 $0xFFFFF086;
	s6 =	sadd.s32 @!p0 s3, s7;
	s7 =	simm.s32 @!p0 $0x108  }
0x21: {  	s3 =	sadd.s32 s3, s9;
	s6 =	sadd.s32 @!p0 $0x88, s6;
	s7 =	simm.s32 @p2 $0x1082  }
0x22: {  	[simem:s7], [sflag:s8] =	dma.local @!p0 [hbm:s6], $0xF7A  }
0x23: {  	s9 =	sor.u32 $0xD0000000, s2;
	s6 =	simm.s32 $0x108;
	_ =	swait.ge @!p0 [sflag:s8], $0x0  }
0x24: {  	s3 =	sadd.s32 $0x88, s3;
	s6 =	simm.s32 @!p1 $0x1082;
	[sflag:s4] =	ssyncset.s32 $0xFFFFF086  }
0x25: {  	[simem:s6], [sflag:s4] =	dma.local [hbm:s3], $0xF7A  }
0x26: {  	[smem:$0x3F9D] =	sst s1;
	(tag) =	ssettag s2;
	_ =	strace s9  }
0x27: {  	s1 =	sld [smem:$0x3FAD]  }
0x28: {  	s2 =	sld [smem:$0x3FAE]  }
0x29: {  	s4 =	sld [smem:$0x3FB0]  }
0x2a: {  	p0 =	seq.s32 s5, $0x0;
	s5 =	sld [smem:$0x3FB1]  }
0x2b: {  	s6 =	sld [smem:$0x3FB2]  }
0x2c: {  	s7 =	sld [smem:$0x3FB3]  }
0x2d: {  	s3 =	simm.s32 $0x108;
	s8 =	sld [smem:$0x3FB4]  }
0x2e: {  	s3 =	simm.s32 @!p0 $0x1082;
	s9 =	sld [smem:$0x3FB5]  }
0x2f: {  	lr =	sadd.s32 s0, s3;
	s0 =	sld [smem:$0x3FAC]  }
0x30: {  	s3 =	sld [smem:$0x3FAF]  }
0x31: {  	[smem:$0x3FB8] =	sst s10  }
0x32: {  	s10 =	sld [smem:$0x3FB6];
	_ =	sdelay $0x3  }
0x33: {  	p0 =	seq.s32 s10, $0x1;
	s10 =	sld [smem:$0x3FB8];
	_ =	sdelay $0x3  }
0x34: {  	[smem:$0x3FB8] =	sst s10  }
0x35: {  	s10 =	sld [smem:$0x3FB7];
	_ =	sdelay $0x3  }
0x36: {  	p1 =	seq.s32 s10, $0x1;
	s10 =	sld [smem:$0x3FB8];
	_ =	sdelay $0x3  }
0x37: {  	[smem:$0x3FB8] =	sst s10  }
0x38: {  	s10 =	sld [smem:$0x3FB9]  }
0x39: {  	_ = 	snop;
	(pc) =	sbr.ind lr, $3  }
0x3a: {  	_ = 	snop  }
0x3b: {  	_ = 	snop  }
0x3c: {  	p2 =	seq.s32 s10, $0x1;
	s10 =	sld [smem:$0x3FB8]  }
0x3d: {  	_ =	shalt  }
0x3e: {  	_ =	shalt  }
0x3f: {  	_ =	shalt  }
0x40: {  	_ =	shalt  }
0x41: {  	_ =	shalt  }
0x42: {  	_ =	shalt  }
0x43: {  	_ =	shalt  }
0x44: {  	_ =	shalt  }
0x45: {  	_ =	shalt  }
0x46: {  	_ =	shalt  }
0x47: {  	_ =	shalt  }
0x48: {  	_ =	shalt  }
0x49: {  	_ =	shalt  }
0x4a: {  	_ =	shalt  }
0x4b: {  	_ =	shalt  }
0x4c: {  	_ =	shalt  }
0x4d: {  	_ =	shalt  }
0x4e: {  	_ =	shalt  }
0x4f: {  	_ =	shalt  }
0x50: {  	_ =	shalt  }
0x51: {  	_ =	shalt  }
0x52: {  	_ =	shalt  }
0x53: {  	_ =	shalt  }
0x54: {  	_ =	shalt  }
0x55: {  	_ =	shalt  }
0x56: {  	_ =	shalt  }
0x57: {  	_ =	shalt  }
0x58: {  	_ =	shalt  }
0x59: {  	_ =	shalt  }
0x5a: {  	_ =	shalt  }
0x5b: {  	_ =	shalt  }
0x5c: {  	_ =	shalt  }
0x5d: {  	_ =	shalt  }
0x5e: {  	_ =	shalt  }
0x5f: {  	_ =	shalt  }
0x60: {  	_ =	shalt  }
0x61: {  	_ =	shalt  }
0x62: {  	_ =	shalt  }
0x63: {  	_ =	shalt  }
0x64: {  	_ =	shalt  }
0x65: {  	_ =	shalt  }
0x66: {  	_ =	shalt  }
0x67: {  	_ =	shalt  }
0x68: {  	_ =	shalt  }
0x69: {  	_ =	shalt  }
0x6a: {  	_ =	shalt  }
0x6b: {  	_ =	shalt  }
0x6c: {  	_ =	shalt  }
0x6d: {  	_ =	shalt  }
0x6e: {  	_ =	shalt  }
0x6f: {  	_ =	shalt  }
0x70: {  	_ =	shalt  }
0x71: {  	_ =	shalt  }
0x72: {  	_ =	shalt  }
0x73: {  	_ =	shalt  }
0x74: {  	_ =	shalt  }
0x75: {  	_ =	shalt  }
0x76: {  	_ =	shalt  }
0x77: {  	_ =	shalt  }
0x78: {  	_ =	shalt  }
0x79: {  	_ =	shalt  }
0x7a: {  	_ =	shalt  }
0x7b: {  	_ =	shalt  }
0x7c: {  	_ =	shalt  }
0x7d: {  	_ =	shalt  }
0x7e: {  	_ =	shalt  }
0x7f: {  	_ =	shalt  }
0x80: {  	_ =	shalt  }
0x81: {  	_ =	shalt  }
0x82: {  	_ =	shalt  }
0x83: {  	_ =	shalt  }
0x84: {  	_ =	shalt  }
0x85: {  	_ =	shalt  }
0x86: {  	_ =	shalt  }
0x87: {  	_ =	shalt  }
.Lfunc_end0:
.L_simem_size_0:
called_computation_lowered:
.L_overlay_start_0:
0x88: {  	s2 =	sld [smem:$0x3FD9]  }
0x89: {  	s3 =	sld [smem:$0x3FFE];
	_ =	sdelay $0x1  }
0x8a: {  	s1 =	srdreg.scid  }
0x8b: {  	s0 =	sand.u32 $0x1, s1  }
0x8c: {  	s17 =	sshll.u32 s0, $0xA;
	s2 =	sadd.s32 s3, s2  }
0x8d: {  	s2 =	sadd.s32 s2, s17  }
0x8e: {  	[smem:$0x3FC4] =	sst s2  }
0x8f: {  	_ = 	snop  }
0x90: {  	s2 =	sld [smem:$0x3FD0];
	(tm) =	ssettm $0x1  }
0x91: {  	s18 =	sld [smem:$0x3FFB];
	_ =	sdelay $0x3  }
0x92: {  	_ =	strace s18  }
0x93: {  	s3 =	sld [smem:$0x3FFC];
	_ =	sdelay $0x3  }
0x94: {  	_ =	strace s3  }
0x95: {  	s3 =	sld [smem:$0x3FFD];
	_ =	sdelay $0x3  }
0x96: {  	_ =	strace s3  }
0x97: {  	_ =	strace $0x8FFFFFFF  }
0x98: {  	s19 =	sld [smem:$0x3FDB];
	_ =	sdelay $0x1  }
0x99: {  	s4 =	simm.s32 $_scs_section_size  }
0x9a: {  	s5 =	simm.s32 $_size__tile_overlayer_lowered;
	s6 =	simm.s32 $_tile_overlayer_lowered  }
0x9b: {  	s22 =	simm.s32 $0x1BFF;
	s21 =	sshll.u32 s6, $0x1;
	s3 =	sadd.s32 s4, s19  }
0x9c: {  	s7 =	simm.s32 $0x0;
	s20 =	sshll.u32 s5, $0x1;
	s5 =	sadd.s32 s21, s3  }
0x9d: {  	[timem:s7], [sflag:s22] =	dma.local [hbm:s5], s20  }
0x9e: {  	_ =	swait.ge [sflag:s22], s20  }
0x9f: {  	s4 =	ssub.s32 $0x0, s20;
	[sflag:s22] =	ssyncset.done $0x0  }
0xa0: {  	[sflag:s22] =	ssyncadd.s32 s4;
	_ =	sdelay $0x1  }
0xa1: {  	s23 =	simm.s32 $0x1B8B  }
0xa2: {  	_ =	swait.ge [sflag:s23], $0x1  }
0xa3: {  	[sflag:s23] =	ssyncset.done $0x0  }
0xa4: {  	s25 =	simm.s32 $0x1B8E;
	s24 =	sld [smem:$0x3FFE];
	[sflag:s23] =	ssyncadd.s32 $0xFFFFFFFF  }
0xa5: {  	s26 =	simm.s32 $execute0_lowered;
	[smem:$0x3FD2] =	sst s25  }
0xa6: {  	s5 =	sshll.u32 s26, $0x1;
	_ =	strace $0x80000046;
	[dreg:$0x1] =	wrdreg $0xFFFFFFFF  }
0xa7: {  	s28 =	simm.s32 $_size_execute0_lowered;
	s3 =	sadd.s32 s3, s5;
	[dreg:$0x0] =	wrdreg $0x0  }
0xa8: {  	s5 =	sshll.u32 s28, $0x1;
	[dreg:$0x2] =	wrdreg s3  }
0xa9: {  	[dreg:$0x3] =	wrdreg s5  }
0xaa: {  	[dreg:$0x4] =	wrdreg $0xC0  }
0xab: {  	_ =	task [dreg:s7], $0x5FFFF  }
0xac: {  	[dreg:$0x1] =	wrdreg $0xFFFFFFFF  }
0xad: {  	[dreg:$0x0] =	wrdreg $0x60  }
0xae: {  	[dreg:$0x2] =	wrdreg s24  }
0xaf: {  	[dreg:$0x3] =	wrdreg s2  }
0xb0: {  	[dreg:$0x4] =	wrdreg $0x9  }
0xb1: {  	_ =	task.clear_ibuf [dreg:s7], $0x5FFFF;
	_ =	strace $0x90000046  }
0xb2: {  	s29 =	simm.s32 $0x9;
	_ =	strace $0x80000048  }
0xb3: {  	_ =	swait.ge [sflag:s29], $0x1  }
0xb4: {  	[sflag:s29] =	ssyncadd.s32 $0xFFFFFFFF  }
0xb5: {  	_ =	strace $0x90000048  }
0xb6: {  	_ =	sfence  }
0xb7: {  	s30 =	sld [smem:$0x0];
	_ =	sdelay $0x2  }
0xb8: {  	s31 =	sshll.u32 s1, $0xD;
	s1 =	sshrl.u32 s1, $0x2  }
0xb9: {  	s3 =	sand.u32 $0x4000, s31;
	s1 =	sadd.s32 s1, s30  }
0xba: {  	s0 =	sor.u32 s3, s0;
	s1 =	sshll.u32 s1, $0x11  }
0xbb: {  	s0 =	sor.u32 s1, s0  }
0xbc: {  	s0 =	sadd.s32 $0x8F2B, s0  }
0xbd: {  	[sflag:s0] =	ssyncadd.remote.s32 $0x1  }
0xbe: {  	_ =	sfence.sel $0xFFFF  }
0xbf: {  	[dreg:$0x0] =	wrdreg $0xFFFFFFFF;
	(pc) =	sbr.abs _section_cstart, $3  }
0xc0: {  	[dreg:$0x1] =	wrdreg $0xFFFFFFFF  }
0xc1: {  	_ =	task.clear_ibuf [dreg:s7], $0x2FFFF;
	_ =	strace $0x9FFFFFFF  }
0xc2: {  	(tm) =	ssettm $0x7FFFFFFF  }
0xc3: {  	_ =	shalt  }
tec
execute0_lowered:
.L_overlay_start_1:
0x0: {  	(tag) =	ssettag $0x1  }
0x1: {  	s8 =	rddreg [dreg:$0x0]  }
0x2: {  	s1 =	rddreg [dreg:$0x1]  }
0x3: {  	s0 =	rddreg [dreg:$0x2]  }
0x4: {  	s2 =	simm.s32 $0x0;
	s3 =	srdreg.scid;
	s13 =	simm.s32 $0x104E0  }
0x5: {  	s14 =	simm.s32 $0x200;
	s15 =	simm.s32 $0x400;
	s16 =	simm.s32 $0x0  }
0x6: {  	[smem:$0x7FF] =	sst s2;
	s4 =	sadd.s32 $0x32E00, s8;
	s9 =	sand.u32 $0x1, s3  }
0x7: {  	s5 =	sadd.s32 $0x19E00, s8;
	s3 =	stileid.u32;
	s6 =	sadd.s32 $0xE00, s8  }
0x8: {  	s7 =	sadd.s32 $0x600, s8;
	s8 =	sadd.s32 $0x800, s8;
	s10 =	ssub.s32 $0x2, s9  }
0x9: {  	_ =	strace $0x80000047;
	s12 =	sshll.u32 s3, $0x1;
	s11 =	sshrl.u32 s10, $0x1  }
0xa: {  	v0 =	vlaneseq.u32;
	s9 =	sor.u32 s9, s12;
	s12 =	simm.s32 $0x1;
	s10 =	ssub.s32 s10, s11  }
0xb: {  	v0 =	vmul.u32 $0x80, v0;
	s9 =	smul.u32 $0x6400, s9;
	s11 =	simm.s32 $0x10400;
	s10 =	smax.u32 s10, $0x1  }
.LBB2_1:
0xc: {  	[tilespmem:s11], [sflag:$0x1] =	stream.linear.gather [hbm4b:s7+s2], $0xE0, $0x38;
	[tilespmem:$0x128E0] =	vst v63  }
0xd: {  	_ =	swait.ge [sflag:s12], $0xE0  }
0xe: {  	[sflag:s12] =	ssyncset.done $0x0  }
0xf: {  	[sflag:s12] =	ssyncadd.s32 $0xFFFFFF20  }
0x10: {  	[tilespmem:s13], [sflag:$0x1] =	stream.linear.gather [hbm4b:s8+s2], $0x2400, $0x38;
	[tilespmem:$0x128E0] =	vst v63  }
0x11: {  	_ =	swait.ge [sflag:s12], $0x2400  }
0x12: {  	[sflag:s12] =	ssyncset.done $0x0  }
0x13: {  	s17 =	simm.s32 $0x0;
	[sflag:s12] =	ssyncadd.s32 $0xFFFFDC00  }
.LBB2_2:
0x14: {  	s18 =	sshll.u32 s17, $0x9  }
0x15: {  	s18 =	sadd.s32 s9, s18  }
0x16: {  	s19 =	sshrl.u32 s18, $0x3  }
0x17: {  	s21 =	simm.s32 $0x0;
	s20 =	sadd.s32 s5, s19  }
0x18: {  	[tilespmem:s21], [sflag:$0x1] =	stream.linear.gather [hbm4b:s20+s21], $0x200, $0x38;
	[tilespmem:$0x128E0] =	vst v63  }
0x19: {  	_ =	swait.ge [sflag:s12], $0x200  }
0x1a: {  	[sflag:s12] =	ssyncset.done $0x0  }
0x1b: {  	s19 =	sadd.s32 s6, s19;
	[sflag:s12] =	ssyncadd.s32 $0xFFFFFE00  }
0x1c: {  	[tilespmem:s14], [sflag:$0x1] =	stream.linear.gather [hbm4b:s19+s21], $0x200, $0x38;
	[tilespmem:$0x128E0] =	vst v63  }
0x1d: {  	s22 =	simm.s32 $0x480;
	s31 =	sshll.u32 s18, $0x3;
	_ =	swait.ge [sflag:s12], $0x200  }
0x1e: {  	s20 =	simm.s32 $0x400;
	s19 =	sadd.s32 s4, s31;
	[sflag:s12] =	ssyncset.done $0x0  }
0x1f: {  	s21 =	simm.s32 $0x8;
	s23 =	sadd.s32 $0x0, s19;
	[sflag:s12] =	ssyncadd.s32 $0xFFFFFE00  }
.LBB2_3:
0x20: {  	[tilespmem:s20], [sflag:$0x1] =	stream.linear.gather [hbm4b:s23+s2], $0x40, $0x38;
	[tilespmem:$0x128E0] =	vst v63  }
0x21: {  	s23 =	smov.u32 s21;
	s20 =	smov.u32 s22;
	p0 =	sne.s32 s21, $0xFF8  }
.Ltmp0:
0x22: {  	s21 =	sadd.s32 $0x8, s21;
	(pc) =	sbr.rel @p0 .LBB2_3-.Ltmp0, $2  }
0x23: {  	_ =	sdelay $0x2  }
0x24: {  	s22 =	sadd.s32 $0x80, s22;
	s23 =	sadd.s32 s23, s19  }
0x25: {  	[tilespmem:s20], [sflag:$0x1] =	stream.linear.gather [hbm4b:s23+s2], $0x40, $0x38;
	[tilespmem:$0x128E0] =	vst v63  }
0x26: {  	_ =	swait.ge [sflag:s12], $0x8000  }
0x27: {  	s19 =	simm.s32 $0x0;
	[sflag:s12] =	ssyncset.done $0x0  }
0x28: {  	s20 =	simm.s32 $0x200;
	s21 =	simm.s32 $0x0;
	[sflag:s12] =	ssyncadd.s32 $0xFFFF8000  }
.LBB2_5:
0x29: {  	v1 =	vld [tilespmem:s19+$0x0];
	_ =	sdelay $0x4  }
0x2a: {  	v2 =	vshll.u32 v1, $0x5  }
0x2b: {  	v3 =	vld [tilespmem:s20+$0x0]  }
0x2c: {  	v1 =	vmov s21  }
0x2d: {  	v1 =	vshll.u32 v1, $0x7  }
0x2e: {  	v1 =	vor.u32 v0, v1  }
0x2f: {  	v5 =	vor.u32 $0x40, v1;
	v4 =	vld.idx.msk [tilespmem:v2+s11+$0x0], $0xffff  }
0x30: {  	v3 =	vshll.u32 v3, $0x5;
	_ =	sdelay $0x3  }
0x31: {  	[tilespmem:v5+s15+$0x0] =	vst.idx.msk $0xffff, v4  }
0x32: {  	v53 =	vor.u32 $0x60, v1;
	v4 =	vld.idx.msk [tilespmem:v3+s13+$0x0], $0xffff  }
0x33: {  	v6 =	vor.u32 $0x1, v2;
	_ =	sdelay $0x3  }
0x34: {  	[tilespmem:v53+s15+$0x0] =	vst.idx.msk $0xffff, v4  }
0x35: {  	v54 =	vor.u32 $0x41, v1;
	v4 =	vld.idx.msk [tilespmem:v6+s11+$0x0], $0xffff  }
0x36: {  	v55 =	vor.u32 $0x1, v3;
	_ =	sdelay $0x3  }
0x37: {  	[tilespmem:v54+s15+$0x0] =	vst.idx.msk $0xffff, v4  }
0x38: {  	v56 =	vor.u32 $0x61, v1;
	v4 =	vld.idx.msk [tilespmem:v55+s13+$0x0], $0xffff  }
0x39: {  	v57 =	vor.u32 $0x2, v2;
	_ =	sdelay $0x3  }
0x3a: {  	[tilespmem:v56+s15+$0x0] =	vst.idx.msk $0xffff, v4  }
0x3b: {  	v58 =	vor.u32 $0x42, v1;
	v4 =	vld.idx.msk [tilespmem:v57+s11+$0x0], $0xffff  }
0x3c: {  	v59 =	vor.u32 $0x2, v3;
	_ =	sdelay $0x3  }
0x3d: {  	[tilespmem:v58+s15+$0x0] =	vst.idx.msk $0xffff, v4  }
0x3e: {  	v60 =	vor.u32 $0x62, v1;
	v4 =	vld.idx.msk [tilespmem:v59+s13+$0x0], $0xffff  }
0x3f: {  	v61 =	vor.u32 $0x3, v2;
	_ =	sdelay $0x3  }
0x40: {  	[tilespmem:v60+s15+$0x0] =	vst.idx.msk $0xffff, v4  }
0x41: {  	v62 =	vor.u32 $0x43, v1;
	v4 =	vld.idx.msk [tilespmem:v61+s11+$0x0], $0xffff  }
0x42: {  	v63 =	vor.u32 $0x3, v3;
	_ =	sdelay $0x3  }
0x43: {  	[tilespmem:v62+s15+$0x0] =	vst.idx.msk $0xffff, v4  }
0x44: {  	v9 =	vor.u32 $0x63, v1;
	v4 =	vld.idx.msk [tilespmem:v63+s13+$0x0], $0xffff  }
0x45: {  	v10 =	vor.u32 $0x4, v2;
	_ =	sdelay $0x3  }
0x46: {  	[tilespmem:v9+s15+$0x0] =	vst.idx.msk $0xffff, v4  }
0x47: {  	v11 =	vor.u32 $0x44, v1;
	v4 =	vld.idx.msk [tilespmem:v10+s11+$0x0], $0xffff  }
0x48: {  	v12 =	vor.u32 $0x4, v3;
	_ =	sdelay $0x3  }
0x49: {  	[tilespmem:v11+s15+$0x0] =	vst.idx.msk $0xffff, v4  }
0x4a: {  	v13 =	vor.u32 $0x64, v1;
	v4 =	vld.idx.msk [tilespmem:v12+s13+$0x0], $0xffff  }
0x4b: {  	v14 =	vor.u32 $0x5, v2;
	_ =	sdelay $0x3  }
0x4c: {  	[tilespmem:v13+s15+$0x0] =	vst.idx.msk $0xffff, v4  }
0x4d: {  	v15 =	vor.u32 $0x45, v1;
	v4 =	vld.idx.msk [tilespmem:v14+s11+$0x0], $0xffff  }
0x4e: {  	v16 =	vor.u32 $0x5, v3;
	_ =	sdelay $0x3  }
0x4f: {  	[tilespmem:v15+s15+$0x0] =	vst.idx.msk $0xffff, v4  }
0x50: {  	v17 =	vor.u32 $0x65, v1;
	v4 =	vld.idx.msk [tilespmem:v16+s13+$0x0], $0xffff  }
0x51: {  	v18 =	vor.u32 $0x6, v2;
	_ =	sdelay $0x3  }
0x52: {  	[tilespmem:v17+s15+$0x0] =	vst.idx.msk $0xffff, v4  }
0x53: {  	v19 =	vor.u32 $0x46, v1;
	v4 =	vld.idx.msk [tilespmem:v18+s11+$0x0], $0xffff  }
0x54: {  	v20 =	vor.u32 $0x6, v3;
	_ =	sdelay $0x3  }
0x55: {  	[tilespmem:v19+s15+$0x0] =	vst.idx.msk $0xffff, v4  }
0x56: {  	v21 =	vor.u32 $0x66, v1;
	v4 =	vld.idx.msk [tilespmem:v20+s13+$0x0], $0xffff  }
0x57: {  	v22 =	vor.u32 $0x7, v2;
	_ =	sdelay $0x3  }
0x58: {  	[tilespmem:v21+s15+$0x0] =	vst.idx.msk $0xffff, v4  }
0x59: {  	v23 =	vor.u32 $0x47, v1;
	v4 =	vld.idx.msk [tilespmem:v22+s11+$0x0], $0xffff  }
0x5a: {  	v24 =	vor.u32 $0x7, v3;
	_ =	sdelay $0x3  }
0x5b: {  	[tilespmem:v23+s15+$0x0] =	vst.idx.msk $0xffff, v4  }
0x5c: {  	v25 =	vor.u32 $0x67, v1;
	v4 =	vld.idx.msk [tilespmem:v24+s13+$0x0], $0xffff  }
0x5d: {  	v26 =	vor.u32 $0x8, v2;
	_ =	sdelay $0x3  }
0x5e: {  	[tilespmem:v25+s15+$0x0] =	vst.idx.msk $0xffff, v4  }
0x5f: {  	v27 =	vor.u32 $0x48, v1;
	v4 =	vld.idx.msk [tilespmem:v26+s11+$0x0], $0xffff  }
0x60: {  	v28 =	vor.u32 $0x8, v3;
	_ =	sdelay $0x3  }
0x61: {  	[tilespmem:v27+s15+$0x0] =	vst.idx.msk $0xffff, v4  }
0x62: {  	v29 =	vor.u32 $0x68, v1;
	v4 =	vld.idx.msk [tilespmem:v28+s13+$0x0], $0xffff  }
0x63: {  	v30 =	vor.u32 $0x9, v2;
	_ =	sdelay $0x3  }
0x64: {  	[tilespmem:v29+s15+$0x0] =	vst.idx.msk $0xffff, v4  }
0x65: {  	v31 =	vor.u32 $0x49, v1;
	v4 =	vld.idx.msk [tilespmem:v30+s11+$0x0], $0xffff  }
0x66: {  	v32 =	vor.u32 $0x9, v3;
	_ =	sdelay $0x3  }
0x67: {  	[tilespmem:v31+s15+$0x0] =	vst.idx.msk $0xffff, v4  }
0x68: {  	v33 =	vor.u32 $0x69, v1;
	v4 =	vld.idx.msk [tilespmem:v32+s13+$0x0], $0xffff  }
0x69: {  	v34 =	vor.u32 $0xA, v2;
	_ =	sdelay $0x3  }
0x6a: {  	[tilespmem:v33+s15+$0x0] =	vst.idx.msk $0xffff, v4  }
0x6b: {  	v35 =	vor.u32 $0x4A, v1;
	v4 =	vld.idx.msk [tilespmem:v34+s11+$0x0], $0xffff  }
0x6c: {  	v36 =	vor.u32 $0xA, v3;
	_ =	sdelay $0x3  }
0x6d: {  	[tilespmem:v35+s15+$0x0] =	vst.idx.msk $0xffff, v4  }
0x6e: {  	v37 =	vor.u32 $0x6A, v1;
	v4 =	vld.idx.msk [tilespmem:v36+s13+$0x0], $0xffff  }
0x6f: {  	v38 =	vor.u32 $0xB, v2;
	_ =	sdelay $0x3  }
0x70: {  	[tilespmem:v37+s15+$0x0] =	vst.idx.msk $0xffff, v4  }
0x71: {  	v39 =	vor.u32 $0x4B, v1;
	v4 =	vld.idx.msk [tilespmem:v38+s11+$0x0], $0xffff  }
0x72: {  	v40 =	vor.u32 $0xB, v3;
	_ =	sdelay $0x3  }
0x73: {  	[tilespmem:v39+s15+$0x0] =	vst.idx.msk $0xffff, v4  }
0x74: {  	v41 =	vor.u32 $0x6B, v1;
	v4 =	vld.idx.msk [tilespmem:v40+s13+$0x0], $0xffff  }
0x75: {  	v42 =	vor.u32 $0xC, v2;
	_ =	sdelay $0x3  }
0x76: {  	[tilespmem:v41+s15+$0x0] =	vst.idx.msk $0xffff, v4  }
0x77: {  	v43 =	vor.u32 $0x4C, v1;
	v4 =	vld.idx.msk [tilespmem:v42+s11+$0x0], $0xffff  }
0x78: {  	v44 =	vor.u32 $0xC, v3;
	_ =	sdelay $0x3  }
0x79: {  	[tilespmem:v43+s15+$0x0] =	vst.idx.msk $0xffff, v4  }
0x7a: {  	v45 =	vor.u32 $0x6C, v1;
	v4 =	vld.idx.msk [tilespmem:v44+s13+$0x0], $0xffff  }
0x7b: {  	v46 =	vor.u32 $0xD, v2;
	_ =	sdelay $0x3  }
0x7c: {  	[tilespmem:v45+s15+$0x0] =	vst.idx.msk $0xffff, v4  }
0x7d: {  	v47 =	vor.u32 $0x4D, v1;
	v4 =	vld.idx.msk [tilespmem:v46+s11+$0x0], $0xffff  }
0x7e: {  	v48 =	vor.u32 $0xD, v3;
	_ =	sdelay $0x3  }
0x7f: {  	[tilespmem:v47+s15+$0x0] =	vst.idx.msk $0xffff, v4  }
0x80: {  	v49 =	vor.u32 $0x6D, v1;
	v4 =	vld.idx.msk [tilespmem:v48+s13+$0x0], $0xffff  }
0x81: {  	v50 =	vor.u32 $0xE, v2;
	_ =	sdelay $0x3  }
0x82: {  	[tilespmem:v49+s15+$0x0] =	vst.idx.msk $0xffff, v4  }
0x83: {  	v51 =	vor.u32 $0x4E, v1;
	v4 =	vld.idx.msk [tilespmem:v50+s11+$0x0], $0xffff  }
0x84: {  	v52 =	vor.u32 $0xE, v3;
	_ =	sdelay $0x3  }
0x85: {  	[tilespmem:v51+s15+$0x0] =	vst.idx.msk $0xffff, v4  }
0x86: {  	v53 =	vor.u32 $0x6E, v1;
	v4 =	vld.idx.msk [tilespmem:v52+s13+$0x0], $0xffff  }
0x87: {  	v54 =	vor.u32 $0xF, v2;
	_ =	sdelay $0x3  }
0x88: {  	[tilespmem:v53+s15+$0x0] =	vst.idx.msk $0xffff, v4  }
0x89: {  	v55 =	vor.u32 $0x4F, v1;
	v4 =	vld.idx.msk [tilespmem:v54+s11+$0x0], $0xffff  }
0x8a: {  	v56 =	vor.u32 $0xF, v3;
	_ =	sdelay $0x3  }
0x8b: {  	[tilespmem:v55+s15+$0x0] =	vst.idx.msk $0xffff, v4  }
0x8c: {  	v57 =	vor.u32 $0x6F, v1;
	v4 =	vld.idx.msk [tilespmem:v56+s13+$0x0], $0xffff  }
0x8d: {  	v58 =	vor.u32 $0x10, v2;
	_ =	sdelay $0x3  }
0x8e: {  	[tilespmem:v57+s15+$0x0] =	vst.idx.msk $0xffff, v4  }
0x8f: {  	v59 =	vor.u32 $0x50, v1;
	v4 =	vld.idx.msk [tilespmem:v58+s11+$0x0], $0xffff  }
0x90: {  	v60 =	vor.u32 $0x10, v3;
	_ =	sdelay $0x3  }
0x91: {  	[tilespmem:v59+s15+$0x0] =	vst.idx.msk $0xffff, v4  }
0x92: {  	v61 =	vor.u32 $0x70, v1;
	v4 =	vld.idx.msk [tilespmem:v60+s13+$0x0], $0xffff  }
0x93: {  	v62 =	vor.u32 $0x11, v2;
	_ =	sdelay $0x3  }
0x94: {  	[tilespmem:v61+s15+$0x0] =	vst.idx.msk $0xffff, v4  }
0x95: {  	v63 =	vor.u32 $0x51, v1;
	v4 =	vld.idx.msk [tilespmem:v62+s11+$0x0], $0xffff  }
0x96: {  	v9 =	vor.u32 $0x11, v3;
	_ =	sdelay $0x3  }
0x97: {  	[tilespmem:v63+s15+$0x0] =	vst.idx.msk $0xffff, v4  }
0x98: {  	v10 =	vor.u32 $0x71, v1;
	v4 =	vld.idx.msk [tilespmem:v9+s13+$0x0], $0xffff  }
0x99: {  	v11 =	vor.u32 $0x12, v2;
	_ =	sdelay $0x3  }
0x9a: {  	[tilespmem:v10+s15+$0x0] =	vst.idx.msk $0xffff, v4  }
0x9b: {  	v12 =	vor.u32 $0x52, v1;
	v4 =	vld.idx.msk [tilespmem:v11+s11+$0x0], $0xffff  }
0x9c: {  	v13 =	vor.u32 $0x12, v3;
	_ =	sdelay $0x3  }
0x9d: {  	[tilespmem:v12+s15+$0x0] =	vst.idx.msk $0xffff, v4  }
0x9e: {  	v14 =	vor.u32 $0x72, v1;
	v4 =	vld.idx.msk [tilespmem:v13+s13+$0x0], $0xffff  }
0x9f: {  	v15 =	vor.u32 $0x13, v2;
	_ =	sdelay $0x3  }
0xa0: {  	[tilespmem:v14+s15+$0x0] =	vst.idx.msk $0xffff, v4  }
0xa1: {  	v16 =	vor.u32 $0x53, v1;
	v4 =	vld.idx.msk [tilespmem:v15+s11+$0x0], $0xffff  }
0xa2: {  	v17 =	vor.u32 $0x13, v3;
	_ =	sdelay $0x3  }
0xa3: {  	[tilespmem:v16+s15+$0x0] =	vst.idx.msk $0xffff, v4  }
0xa4: {  	v18 =	vor.u32 $0x73, v1;
	v4 =	vld.idx.msk [tilespmem:v17+s13+$0x0], $0xffff  }
0xa5: {  	v19 =	vor.u32 $0x14, v2;
	_ =	sdelay $0x3  }
0xa6: {  	[tilespmem:v18+s15+$0x0] =	vst.idx.msk $0xffff, v4  }
0xa7: {  	v20 =	vor.u32 $0x54, v1;
	v4 =	vld.idx.msk [tilespmem:v19+s11+$0x0], $0xffff  }
0xa8: {  	v21 =	vor.u32 $0x14, v3;
	_ =	sdelay $0x3  }
0xa9: {  	[tilespmem:v20+s15+$0x0] =	vst.idx.msk $0xffff, v4  }
0xaa: {  	v22 =	vor.u32 $0x74, v1;
	v4 =	vld.idx.msk [tilespmem:v21+s13+$0x0], $0xffff  }
0xab: {  	v23 =	vor.u32 $0x15, v2;
	_ =	sdelay $0x3  }
0xac: {  	[tilespmem:v22+s15+$0x0] =	vst.idx.msk $0xffff, v4  }
0xad: {  	v24 =	vor.u32 $0x55, v1;
	v4 =	vld.idx.msk [tilespmem:v23+s11+$0x0], $0xffff  }
0xae: {  	v25 =	vor.u32 $0x15, v3;
	_ =	sdelay $0x3  }
0xaf: {  	[tilespmem:v24+s15+$0x0] =	vst.idx.msk $0xffff, v4  }
0xb0: {  	v26 =	vor.u32 $0x75, v1;
	v4 =	vld.idx.msk [tilespmem:v25+s13+$0x0], $0xffff  }
0xb1: {  	v27 =	vor.u32 $0x16, v2;
	_ =	sdelay $0x3  }
0xb2: {  	[tilespmem:v26+s15+$0x0] =	vst.idx.msk $0xffff, v4  }
0xb3: {  	v28 =	vor.u32 $0x56, v1;
	v4 =	vld.idx.msk [tilespmem:v27+s11+$0x0], $0xffff  }
0xb4: {  	v29 =	vor.u32 $0x16, v3;
	_ =	sdelay $0x3  }
0xb5: {  	[tilespmem:v28+s15+$0x0] =	vst.idx.msk $0xffff, v4  }
0xb6: {  	v30 =	vor.u32 $0x76, v1;
	v4 =	vld.idx.msk [tilespmem:v29+s13+$0x0], $0xffff  }
0xb7: {  	v31 =	vor.u32 $0x17, v2;
	_ =	sdelay $0x3  }
0xb8: {  	[tilespmem:v30+s15+$0x0] =	vst.idx.msk $0xffff, v4  }
0xb9: {  	v32 =	vor.u32 $0x57, v1;
	v4 =	vld.idx.msk [tilespmem:v31+s11+$0x0], $0xffff  }
0xba: {  	v33 =	vor.u32 $0x17, v3;
	_ =	sdelay $0x3  }
0xbb: {  	[tilespmem:v32+s15+$0x0] =	vst.idx.msk $0xffff, v4  }
0xbc: {  	v34 =	vor.u32 $0x77, v1;
	v4 =	vld.idx.msk [tilespmem:v33+s13+$0x0], $0xffff  }
0xbd: {  	v35 =	vor.u32 $0x18, v2;
	_ =	sdelay $0x3  }
0xbe: {  	[tilespmem:v34+s15+$0x0] =	vst.idx.msk $0xffff, v4  }
0xbf: {  	v36 =	vor.u32 $0x58, v1;
	v4 =	vld.idx.msk [tilespmem:v35+s11+$0x0], $0xffff  }
0xc0: {  	v37 =	vor.u32 $0x18, v3;
	_ =	sdelay $0x3  }
0xc1: {  	[tilespmem:v36+s15+$0x0] =	vst.idx.msk $0xffff, v4  }
0xc2: {  	v38 =	vor.u32 $0x78, v1;
	v4 =	vld.idx.msk [tilespmem:v37+s13+$0x0], $0xffff  }
0xc3: {  	v39 =	vor.u32 $0x19, v2;
	_ =	sdelay $0x3  }
0xc4: {  	[tilespmem:v38+s15+$0x0] =	vst.idx.msk $0xffff, v4  }
0xc5: {  	v40 =	vor.u32 $0x59, v1;
	v4 =	vld.idx.msk [tilespmem:v39+s11+$0x0], $0xffff  }
0xc6: {  	v41 =	vor.u32 $0x19, v3;
	_ =	sdelay $0x3  }
0xc7: {  	[tilespmem:v40+s15+$0x0] =	vst.idx.msk $0xffff, v4  }
0xc8: {  	v42 =	vor.u32 $0x79, v1;
	v4 =	vld.idx.msk [tilespmem:v41+s13+$0x0], $0xffff  }
0xc9: {  	v43 =	vor.u32 $0x1A, v2;
	_ =	sdelay $0x3  }
0xca: {  	[tilespmem:v42+s15+$0x0] =	vst.idx.msk $0xffff, v4  }
0xcb: {  	v44 =	vor.u32 $0x5A, v1;
	v4 =	vld.idx.msk [tilespmem:v43+s11+$0x0], $0xffff  }
0xcc: {  	v45 =	vor.u32 $0x1A, v3;
	_ =	sdelay $0x3  }
0xcd: {  	[tilespmem:v44+s15+$0x0] =	vst.idx.msk $0xffff, v4  }
0xce: {  	v46 =	vor.u32 $0x7A, v1;
	v4 =	vld.idx.msk [tilespmem:v45+s13+$0x0], $0xffff  }
0xcf: {  	v47 =	vor.u32 $0x1B, v2;
	_ =	sdelay $0x3  }
0xd0: {  	[tilespmem:v46+s15+$0x0] =	vst.idx.msk $0xffff, v4  }
0xd1: {  	v48 =	vor.u32 $0x5B, v1;
	v4 =	vld.idx.msk [tilespmem:v47+s11+$0x0], $0xffff  }
0xd2: {  	v49 =	vor.u32 $0x1B, v3;
	_ =	sdelay $0x3  }
0xd3: {  	[tilespmem:v48+s15+$0x0] =	vst.idx.msk $0xffff, v4  }
0xd4: {  	v50 =	vor.u32 $0x7B, v1;
	v4 =	vld.idx.msk [tilespmem:v49+s13+$0x0], $0xffff  }
0xd5: {  	v51 =	vor.u32 $0x1C, v2;
	_ =	sdelay $0x3  }
0xd6: {  	[tilespmem:v50+s15+$0x0] =	vst.idx.msk $0xffff, v4  }
0xd7: {  	v52 =	vor.u32 $0x5C, v1;
	v4 =	vld.idx.msk [tilespmem:v51+s11+$0x0], $0xffff  }
0xd8: {  	v53 =	vor.u32 $0x1C, v3;
	_ =	sdelay $0x3  }
0xd9: {  	[tilespmem:v52+s15+$0x0] =	vst.idx.msk $0xffff, v4  }
0xda: {  	v54 =	vor.u32 $0x7C, v1;
	v4 =	vld.idx.msk [tilespmem:v53+s13+$0x0], $0xffff  }
0xdb: {  	v55 =	vor.u32 $0x1D, v2;
	_ =	sdelay $0x3  }
0xdc: {  	[tilespmem:v54+s15+$0x0] =	vst.idx.msk $0xffff, v4  }
0xdd: {  	v56 =	vor.u32 $0x5D, v1;
	v4 =	vld.idx.msk [tilespmem:v55+s11+$0x0], $0xffff  }
0xde: {  	v57 =	vor.u32 $0x1D, v3;
	_ =	sdelay $0x3  }
0xdf: {  	[tilespmem:v56+s15+$0x0] =	vst.idx.msk $0xffff, v4  }
0xe0: {  	v58 =	vor.u32 $0x7D, v1;
	v4 =	vld.idx.msk [tilespmem:v57+s13+$0x0], $0xffff  }
0xe1: {  	v59 =	vor.u32 $0x1E, v2;
	_ =	sdelay $0x3  }
0xe2: {  	[tilespmem:v58+s15+$0x0] =	vst.idx.msk $0xffff, v4  }
0xe3: {  	v60 =	vor.u32 $0x5E, v1;
	v4 =	vld.idx.msk [tilespmem:v59+s11+$0x0], $0xffff  }
0xe4: {  	v61 =	vor.u32 $0x1E, v3;
	_ =	sdelay $0x3  }
0xe5: {  	[tilespmem:v60+s15+$0x0] =	vst.idx.msk $0xffff, v4  }
0xe6: {  	v62 =	vor.u32 $0x7E, v1;
	v4 =	vld.idx.msk [tilespmem:v61+s13+$0x0], $0xffff  }
0xe7: {  	v2 =	vor.u32 $0x1F, v2;
	_ =	sdelay $0x3  }
0xe8: {  	[tilespmem:v62+s15+$0x0] =	vst.idx.msk $0xffff, v4  }
0xe9: {  	v63 =	vor.u32 $0x5F, v1;
	v2 =	vld.idx.msk [tilespmem:v2+s11+$0x0], $0xffff  }
0xea: {  	v3 =	vor.u32 $0x1F, v3;
	_ =	sdelay $0x3  }
0xeb: {  	[tilespmem:v63+s15+$0x0] =	vst.idx.msk $0xffff, v2  }
0xec: {  	p0 =	sne.s32 s21, $0x1F0;
	v1 =	vor.u32 $0x7F, v1;
	v2 =	vld.idx.msk [tilespmem:v3+s13+$0x0], $0xffff  }
.Ltmp1:
0xed: {  	_ = 	snop;
	(pc) =	sbr.rel @p0 .LBB2_5-.Ltmp1, $2  }
0xee: {  	_ =	sdelay $0x2  }
0xef: {  	s19 =	sadd.s32 $0x10, s19;
	s20 =	sadd.s32 $0x10, s20;
	s21 =	sadd.s32 $0x10, s21;
	[tilespmem:v1+s15+$0x0] =	vst.idx.msk $0xffff, v2  }
0xf0: {  	s17 =	sadd.s32 $0x1, s17  }
0xf1: {  	s18 =	sshll.u32 s18, $0x4;
	p0 =	sne.s32 s17, $0x32  }
.Ltmp2:
0xf2: {  	s18 =	sadd.s32 s1, s18;
	(pc) =	sbr.rel @p0 .LBB2_2-.Ltmp2, $4  }
0xf3: {  	[hbm4b:s18+s2] =	stream.linear.scatter [tilespmem:s15], [sflag:$0x1], $0x10000, $0x38;
	[tilespmem:$0x128E0] =	vst v63  }
0xf4: {  	_ =	swait.ge [sflag:s12], $0x10000  }
0xf5: {  	[sflag:s12] =	ssyncset.done $0x0  }
0xf6: {  	[sflag:s12] =	ssyncadd.s32 $0xFFFF0000  }
0xf7: {  	s16 =	sadd.s32 $0x1, s16  }
0xf8: {  	p0 =	sne.s32 s16, s10  }
.Ltmp3:
0xf9: {  	_ = 	snop;
	(pc) =	sbr.rel @p0 .LBB2_1-.Ltmp3, $1  }
0xfa: {  	_ =	sdelay $0x3  }
0xfb: {  	_ =	sfence.sel $0x180000  }
0xfc: {  	[bflag:$0x0] =	sbarrier.arrive $0xFFFF  }
0xfd: {  	p0 =	sne.s32 s3, $0x0;
	_ =	strace $0x90000047  }
0xfe: {  	s0 =	sadd.s32 @!p0 $0x100000, s0;
	[bflag:$0x2] =	sbarrier.arrive $0xFFFF  }
0xff: {  	[sflag:s0] =	ssyncadd.tile.s32 @!p0 $0x1;
	_ =	shalt  }
.Lfunc_end2:
_tile_overlayer_lowered:
.L_overlay_start_2:
0x100: {  	(tag) =	ssettag $0x2  }
0x101: {  	s0 =	rddreg [dreg:$0x0];
	s2 =	stileid.u32  }
0x102: {  	s1 =	rddreg [dreg:$0x1];
	p0 =	sne.s32 s2, $0x0  }
0x103: {  	s3 =	rddreg [dreg:$0x2];
	[bflag:$0x3] =	sbarrier.arrive $0xFFFF;
	s2 =	simm.s32 @!p0 $0x1C01  }
0x104: {  	[timem:s3], [sflag:s2] =	dma.local @!p0 [hbm:s0], s1  }
0x105: {  	s0 =	simm.s32 @!p0 $0x1  }
0x106: {  	_ =	swait.ge @!p0 [sflag:s0], s1  }
0x107: {  	s1 =	ssub.s32 @!p0 $0x0, s1;
	[sflag:s0] =	ssyncset.done @!p0 $0x0  }
0x108: {  	[sflag:s0] =	ssyncadd.s32 @!p0 s1  }
0x109: {  	[bflag:$0x3] =	sbarrier.arrive $0xFFFF  }
0x10a: {  	_ =	shalt  }

</sc_bundles>
